<compile_context>
chip_gen: v7x
topology: tpu7x:2x2x1
jax: 0.10.2.dev20260603
libtpu: 0.0.44.dev20260713+nightly
codegen_flags: <defaults>
</compile_context>

<pallas_src>
import functools

import jax
import jax.numpy as jnp
from jax import lax
from jax.experimental import pallas as pl
from jax.experimental.pallas import tpu as pltpu
from jax.experimental.pallas import tpu_sc as plsc

DIM = 128
B = 16384

_info = plsc.get_sparse_core_info()
NC = _info.num_cores
NS = _info.num_subcores
NW = NC * NS

B_PER_W = B // NW
CHUNK = 64
NBUF = 4
NCHUNK = B_PER_W // CHUNK
NGROUP = CHUNK // 16


def _sqrt16(x):
    x = x + 1e-24
    i = lax.bitcast_convert_type(x, jnp.int32)
    i = 0x5F3759DF - lax.shift_right_arithmetic(i, 1)
    y = lax.bitcast_convert_type(i, jnp.float32)
    for _ in range(3):
        y = y * (1.5 - 0.5 * x * y * y)
    return x * y


def _compute_chunk(hb, rb, tb, out_v, out_base):
    lane = lax.iota(jnp.int32, 16)

    def row_sum(i):
        accs = []
        for j in range(DIM // 16):
            sl = pl.ds(j * 16, 16)
            df = hb[i, sl] + rb[i, sl] - tb[i, sl]
            accs.append(df * df)
        a = ((accs[0] + accs[1]) + (accs[2] + accs[3])) + (
            (accs[4] + accs[5]) + (accs[6] + accs[7]))
        return jnp.sum(a)

    def group_body(g, _):
        def row_body(r, packed):
            s = row_sum(g * 16 + r)
            return jnp.where(lane == r, s, packed)

        packed = lax.fori_loop(0, 16, row_body, jnp.zeros((16,), jnp.float32))
        out_v[pl.ds(out_base + g * 16, 16)] = _sqrt16(packed)
        return 0

    lax.fori_loop(0, NGROUP, group_body, 0)


def _make_body():
    mesh = plsc.VectorSubcoreMesh(core_axis_name="c", subcore_axis_name="s")
    scratch = (
        [pltpu.VMEM((6, B_PER_W), jnp.int32)]
        + [pltpu.VMEM((CHUNK, DIM), jnp.float32)] * (3 * NBUF)
        + [pltpu.VMEM((2 * B_PER_W,), jnp.float32)]
        + [pltpu.SemaphoreType.DMA] * (NBUF + 1)
    )

    @functools.partial(
        pl.kernel,
        out_type=(
            jax.ShapeDtypeStruct((B,), jnp.float32),
            jax.ShapeDtypeStruct((B,), jnp.float32),
        ),
        scratch_types=scratch,
        mesh=mesh,
        compiler_params=pltpu.CompilerParams(
            needs_layout_passes=False, use_tc_tiling_on_sc=False,
            skip_device_barrier=True, disable_bounds_checks=True,
            disable_semaphore_checks=True),
    )
    def body(ps, ns, ent, rel, pos_out, neg_out, idx6, *rest):
        bufs = rest[:3 * NBUF]
        out2 = rest[3 * NBUF]
        sems = rest[3 * NBUF + 1:3 * NBUF + 1 + NBUF]
        sem_out = rest[3 * NBUF + 1 + NBUF]
        hbufs = bufs[0::3]
        rbufs = bufs[1::3]
        tbufs = bufs[2::3]

        wid = lax.axis_index("s") * NC + lax.axis_index("c")
        wbase = wid * B_PER_W
        sl = pl.ds(wbase, B_PER_W)
        nk = 2 * NCHUNK

        idx_cps = [
            pltpu.async_copy(ps.at[pl.ds(j, 1), sl],
                             idx6.at[pl.ds(j, 1), :], sem_out)
            for j in range(3)
        ] + [
            pltpu.async_copy(ns.at[pl.ds(j, 1), sl],
                             idx6.at[pl.ds(3 + j, 1), :], sem_out)
            for j in range(3)
        ]
        for cp in idx_cps:
            cp.wait()

        def start_gathers(k, buf):
            side = k // NCHUNK
            c = k - side * NCHUNK
            base = 3 * side
            isl = pl.ds(c * CHUNK, CHUNK)
            pltpu.async_copy(ent.at[idx6.at[base, isl]], hbufs[buf], sems[buf])
            pltpu.async_copy(rel.at[idx6.at[base + 1, isl]], rbufs[buf], sems[buf])
            pltpu.async_copy(ent.at[idx6.at[base + 2, isl]], tbufs[buf], sems[buf])

        def wait_gathers(buf):
            src = ent.at[pl.ds(0, CHUNK)]
            for bufref in (hbufs[buf], rbufs[buf], tbufs[buf]):
                pltpu.make_async_copy(src, bufref, sems[buf]).wait()

        for b in range(NBUF):
            start_gathers(b, b)

        def step(kk, _):
            for b in range(NBUF):
                k = NBUF * kk + b
                wait_gathers(b)
                _compute_chunk(hbufs[b], rbufs[b], tbufs[b], out2, k * CHUNK)

                @pl.when(k + NBUF < nk)
                def _():
                    start_gathers(k + NBUF, b)

                @pl.when(k == NCHUNK - 1)
                def _():
                    pltpu.async_copy(out2.at[pl.ds(0, B_PER_W)],
                                     pos_out.at[sl], sem_out)
            return 0

        lax.fori_loop(0, nk // NBUF, step, 0)
        pltpu.sync_copy(out2.at[pl.ds(B_PER_W, B_PER_W)], neg_out.at[sl])
        pltpu.make_async_copy(out2.at[pl.ds(0, B_PER_W)],
                              pos_out.at[sl], sem_out).wait()

    return body


_body = _make_body()


@jax.jit
def kernel(positive_sample, negative_sample, entity_embeddings,
           relation_embeddings):
    pos_dist, neg_dist = _body(positive_sample, negative_sample,
                               entity_embeddings, relation_embeddings)
    return (pos_dist, neg_dist)

# --- scband reference (transcript-rebuilt; emitter-appended) ---
"""Pipeline reference for scband-trans-e-1254130451191 (READ-ONLY COPY).

The authoritative reference and input builder live on the scoring server;
editing this copy changes nothing except your own understanding.
"""

import jax, jax.numpy as jnp
import numpy as np

NUM_ENTITIES = 1000000
NUM_RELATIONS = 100000
DIM = 128
B = 16384


def setup_inputs(seed: int = 0) -> dict:
    key = jax.random.key(seed)
    k1, k2, k3, k4 = jax.random.split(key, 4)
    positive_sample = jax.random.randint(k1, (3, B), 0, NUM_RELATIONS, dtype=jnp.int32)
    negative_sample = jax.random.randint(k2, (3, B), 0, NUM_RELATIONS, dtype=jnp.int32)
    # xavier-uniform-style init for embedding tables
    ent_bound = float(np.sqrt(6.0 / (NUM_ENTITIES + DIM)))
    rel_bound = float(np.sqrt(6.0 / (NUM_RELATIONS + DIM)))
    entity_embeddings = jax.random.uniform(k3, (NUM_ENTITIES, DIM), dtype=jnp.float32, minval=-ent_bound, maxval=ent_bound)
    relation_embeddings = jax.random.uniform(k4, (NUM_RELATIONS, DIM), dtype=jnp.float32, minval=-rel_bound, maxval=rel_bound)
    return {
        "positive_sample": positive_sample,
        "negative_sample": negative_sample,
        "entity_embeddings": entity_embeddings,
        "relation_embeddings": relation_embeddings,
    }


def reference(positive_sample, negative_sample, entity_embeddings, relation_embeddings):
    norm_p = 2
    pos_h = jnp.take(entity_embeddings, positive_sample[0], axis=0)
    pos_r = jnp.take(relation_embeddings, positive_sample[1], axis=0)
    pos_t = jnp.take(entity_embeddings, positive_sample[2], axis=0)
    neg_h = jnp.take(entity_embeddings, negative_sample[0], axis=0)
    neg_r = jnp.take(relation_embeddings, negative_sample[1], axis=0)
    neg_t = jnp.take(entity_embeddings, negative_sample[2], axis=0)
    pos_dist = jnp.linalg.norm(pos_h + pos_r - pos_t, ord=norm_p, axis=1)
    neg_dist = jnp.linalg.norm(neg_h + neg_r - neg_t, ord=norm_p, axis=1)
    return (pos_dist, neg_dist)

if __name__ == "__main__":
    import jax
    _d = setup_inputs()
    print(jax.jit(kernel)(*tuple(_d.values())))

</pallas_src>

<mosaic_0001>
#map = affine_map<(d0, d1) -> (0, 0)>
#map1 = affine_map<(d0, d1) -> (0)>
module attributes {stable_mosaic.version = 14 : i64} {
  func.func @body(%arg0: i32, %arg1: i32, %arg2: memref<3x16384xi32, #tpu.memory_space<hbm>>, %arg3: memref<3x16384xi32, #tpu.memory_space<hbm>>, %arg4: memref<1000000x128xf32, #tpu.memory_space<hbm>>, %arg5: memref<100000x128xf32, #tpu.memory_space<hbm>>, %arg6: memref<16384xf32, #tpu.memory_space<hbm>>, %arg7: memref<16384xf32, #tpu.memory_space<hbm>>, %arg8: memref<6x512xi32, #tpu.memory_space<vmem>>, %arg9: memref<64x128xf32, #tpu.memory_space<vmem>>, %arg10: memref<64x128xf32, #tpu.memory_space<vmem>>, %arg11: memref<64x128xf32, #tpu.memory_space<vmem>>, %arg12: memref<64x128xf32, #tpu.memory_space<vmem>>, %arg13: memref<64x128xf32, #tpu.memory_space<vmem>>, %arg14: memref<64x128xf32, #tpu.memory_space<vmem>>, %arg15: memref<64x128xf32, #tpu.memory_space<vmem>>, %arg16: memref<64x128xf32, #tpu.memory_space<vmem>>, %arg17: memref<64x128xf32, #tpu.memory_space<vmem>>, %arg18: memref<64x128xf32, #tpu.memory_space<vmem>>, %arg19: memref<64x128xf32, #tpu.memory_space<vmem>>, %arg20: memref<64x128xf32, #tpu.memory_space<vmem>>, %arg21: memref<1024xf32, #tpu.memory_space<vmem>>, %arg22: memref<!tpu.dma_semaphore, #tpu.memory_space<semaphore_mem>>, %arg23: memref<!tpu.dma_semaphore, #tpu.memory_space<semaphore_mem>>, %arg24: memref<!tpu.dma_semaphore, #tpu.memory_space<semaphore_mem>>, %arg25: memref<!tpu.dma_semaphore, #tpu.memory_space<semaphore_mem>>, %arg26: memref<!tpu.dma_semaphore, #tpu.memory_space<semaphore_mem>>) attributes {dimension_semantics = [#tpu.dimension_semantics<core_parallel>, #tpu.dimension_semantics<subcore_parallel>], iteration_bounds = array<i64: 2, 16>, scalar_prefetch = 0 : i64, scratch_operands = 19 : i64, tpu.core_type = #tpu.core_type<sc_vector_subcore>, window_params = [{transform_indices = #map}, {transform_indices = #map}, {transform_indices = #map}, {transform_indices = #map}, {transform_indices = #map1}, {transform_indices = #map1}]} {
    %mul3A = arith.constant 2 : i32
    %mul3A_0 = arith.muli %arg1, %mul3A : i32
    %add3A = arith.addi %mul3A_0, %arg0 : i32
    %mul3A_1 = arith.constant 512 : i32
    %mul3A_2 = arith.muli %add3A, %mul3A_1 : i32
    %dma_start3A = arith.constant 0 : i32
    %dma_start3A_3 = arith.constant 0 : i32
    %dma_start3A_4 = tpu.memref_slice %arg8[%dma_start3A, %dma_start3A_3] : memref<6x512xi32, #tpu.memory_space<vmem>> -> memref<1x512xi32, #tpu.memory_space<vmem>>
    %dma_start3A_5 = arith.constant 0 : i32
    %dma_start3A_6 = tpu.memref_slice %arg2[%dma_start3A_5, %mul3A_2] : memref<3x16384xi32, #tpu.memory_space<hbm>> -> memref<1x512xi32, #tpu.memory_space<hbm>>
    %dma_start3A_7 = arith.constant 0 : i32
    %dma_start3A_8 = arith.constant 0 : i32
    %dma_start3A_9 = tpu.memref_slice %arg8[%dma_start3A_7, %dma_start3A_8] : memref<6x512xi32, #tpu.memory_space<vmem>> -> memref<1x512xi32, #tpu.memory_space<vmem>>
    %dma_start3A_10 = arith.constant 0 : i32
    %dma_start3A_11 = tpu.memref_slice %arg2[%dma_start3A_10, %mul3A_2] : memref<3x16384xi32, #tpu.memory_space<hbm>> -> memref<1x512xi32, #tpu.memory_space<hbm>>
    tpu.enqueue_dma source(%dma_start3A_11 : memref<1x512xi32, #tpu.memory_space<hbm>>) target(%dma_start3A_9 : memref<1x512xi32, #tpu.memory_space<vmem>>) target_semaphore(%arg26 : memref<!tpu.dma_semaphore, #tpu.memory_space<semaphore_mem>>)
    %dma_start3A_12 = arith.constant 1 : i32
    %dma_start3A_13 = arith.constant 0 : i32
    %dma_start3A_14 = tpu.memref_slice %arg8[%dma_start3A_12, %dma_start3A_13] : memref<6x512xi32, #tpu.memory_space<vmem>> -> memref<1x512xi32, #tpu.memory_space<vmem>>
    %dma_start3A_15 = arith.constant 1 : i32
    %dma_start3A_16 = tpu.memref_slice %arg2[%dma_start3A_15, %mul3A_2] : memref<3x16384xi32, #tpu.memory_space<hbm>> -> memref<1x512xi32, #tpu.memory_space<hbm>>
    %dma_start3A_17 = arith.constant 1 : i32
    %dma_start3A_18 = arith.constant 0 : i32
    %dma_start3A_19 = tpu.memref_slice %arg8[%dma_start3A_17, %dma_start3A_18] : memref<6x512xi32, #tpu.memory_space<vmem>> -> memref<1x512xi32, #tpu.memory_space<vmem>>
    %dma_start3A_20 = arith.constant 1 : i32
    %dma_start3A_21 = tpu.memref_slice %arg2[%dma_start3A_20, %mul3A_2] : memref<3x16384xi32, #tpu.memory_space<hbm>> -> memref<1x512xi32, #tpu.memory_space<hbm>>
    tpu.enqueue_dma source(%dma_start3A_21 : memref<1x512xi32, #tpu.memory_space<hbm>>) target(%dma_start3A_19 : memref<1x512xi32, #tpu.memory_space<vmem>>) target_semaphore(%arg26 : memref<!tpu.dma_semaphore, #tpu.memory_space<semaphore_mem>>)
    %dma_start3A_22 = arith.constant 2 : i32
    %dma_start3A_23 = arith.constant 0 : i32
    %dma_start3A_24 = tpu.memref_slice %arg8[%dma_start3A_22, %dma_start3A_23] : memref<6x512xi32, #tpu.memory_space<vmem>> -> memref<1x512xi32, #tpu.memory_space<vmem>>
    %dma_start3A_25 = arith.constant 2 : i32
    %dma_start3A_26 = tpu.memref_slice %arg2[%dma_start3A_25, %mul3A_2] : memref<3x16384xi32, #tpu.memory_space<hbm>> -> memref<1x512xi32, #tpu.memory_space<hbm>>
    %dma_start3A_27 = arith.constant 2 : i32
    %dma_start3A_28 = arith.constant 0 : i32
    %dma_start3A_29 = tpu.memref_slice %arg8[%dma_start3A_27, %dma_start3A_28] : memref<6x512xi32, #tpu.memory_space<vmem>> -> memref<1x512xi32, #tpu.memory_space<vmem>>
    %dma_start3A_30 = arith.constant 2 : i32
    %dma_start3A_31 = tpu.memref_slice %arg2[%dma_start3A_30, %mul3A_2] : memref<3x16384xi32, #tpu.memory_space<hbm>> -> memref<1x512xi32, #tpu.memory_space<hbm>>
    tpu.enqueue_dma source(%dma_start3A_31 : memref<1x512xi32, #tpu.memory_space<hbm>>) target(%dma_start3A_29 : memref<1x512xi32, #tpu.memory_space<vmem>>) target_semaphore(%arg26 : memref<!tpu.dma_semaphore, #tpu.memory_space<semaphore_mem>>)
    %dma_start3A_32 = arith.constant 3 : i32
    %dma_start3A_33 = arith.constant 0 : i32
    %dma_start3A_34 = tpu.memref_slice %arg8[%dma_start3A_32, %dma_start3A_33] : memref<6x512xi32, #tpu.memory_space<vmem>> -> memref<1x512xi32, #tpu.memory_space<vmem>>
    %dma_start3A_35 = arith.constant 0 : i32
    %dma_start3A_36 = tpu.memref_slice %arg3[%dma_start3A_35, %mul3A_2] : memref<3x16384xi32, #tpu.memory_space<hbm>> -> memref<1x512xi32, #tpu.memory_space<hbm>>
    %dma_start3A_37 = arith.constant 3 : i32
    %dma_start3A_38 = arith.constant 0 : i32
    %dma_start3A_39 = tpu.memref_slice %arg8[%dma_start3A_37, %dma_start3A_38] : memref<6x512xi32, #tpu.memory_space<vmem>> -> memref<1x512xi32, #tpu.memory_space<vmem>>
    %dma_start3A_40 = arith.constant 0 : i32
    %dma_start3A_41 = tpu.memref_slice %arg3[%dma_start3A_40, %mul3A_2] : memref<3x16384xi32, #tpu.memory_space<hbm>> -> memref<1x512xi32, #tpu.memory_space<hbm>>
    tpu.enqueue_dma source(%dma_start3A_41 : memref<1x512xi32, #tpu.memory_space<hbm>>) target(%dma_start3A_39 : memref<1x512xi32, #tpu.memory_space<vmem>>) target_semaphore(%arg26 : memref<!tpu.dma_semaphore, #tpu.memory_space<semaphore_mem>>)
    %dma_start3A_42 = arith.constant 4 : i32
    %dma_start3A_43 = arith.constant 0 : i32
    %dma_start3A_44 = tpu.memref_slice %arg8[%dma_start3A_42, %dma_start3A_43] : memref<6x512xi32, #tpu.memory_space<vmem>> -> memref<1x512xi32, #tpu.memory_space<vmem>>
    %dma_start3A_45 = arith.constant 1 : i32
    %dma_start3A_46 = tpu.memref_slice %arg3[%dma_start3A_45, %mul3A_2] : memref<3x16384xi32, #tpu.memory_space<hbm>> -> memref<1x512xi32, #tpu.memory_space<hbm>>
    %dma_start3A_47 = arith.constant 4 : i32
    %dma_start3A_48 = arith.constant 0 : i32
    %dma_start3A_49 = tpu.memref_slice %arg8[%dma_start3A_47, %dma_start3A_48] : memref<6x512xi32, #tpu.memory_space<vmem>> -> memref<1x512xi32, #tpu.memory_space<vmem>>
    %dma_start3A_50 = arith.constant 1 : i32
    %dma_start3A_51 = tpu.memref_slice %arg3[%dma_start3A_50, %mul3A_2] : memref<3x16384xi32, #tpu.memory_space<hbm>> -> memref<1x512xi32, #tpu.memory_space<hbm>>
    tpu.enqueue_dma source(%dma_start3A_51 : memref<1x512xi32, #tpu.memory_space<hbm>>) target(%dma_start3A_49 : memref<1x512xi32, #tpu.memory_space<vmem>>) target_semaphore(%arg26 : memref<!tpu.dma_semaphore, #tpu.memory_space<semaphore_mem>>)
    %dma_start3A_52 = arith.constant 5 : i32
    %dma_start3A_53 = arith.constant 0 : i32
    %dma_start3A_54 = tpu.memref_slice %arg8[%dma_start3A_52, %dma_start3A_53] : memref<6x512xi32, #tpu.memory_space<vmem>> -> memref<1x512xi32, #tpu.memory_space<vmem>>
    %dma_start3A_55 = arith.constant 2 : i32
    %dma_start3A_56 = tpu.memref_slice %arg3[%dma_start3A_55, %mul3A_2] : memref<3x16384xi32, #tpu.memory_space<hbm>> -> memref<1x512xi32, #tpu.memory_space<hbm>>
    %dma_start3A_57 = arith.constant 5 : i32
    %dma_start3A_58 = arith.constant 0 : i32
    %dma_start3A_59 = tpu.memref_slice %arg8[%dma_start3A_57, %dma_start3A_58] : memref<6x512xi32, #tpu.memory_space<vmem>> -> memref<1x512xi32, #tpu.memory_space<vmem>>
    %dma_start3A_60 = arith.constant 2 : i32
    %dma_start3A_61 = tpu.memref_slice %arg3[%dma_start3A_60, %mul3A_2] : memref<3x16384xi32, #tpu.memory_space<hbm>> -> memref<1x512xi32, #tpu.memory_space<hbm>>
    tpu.enqueue_dma source(%dma_start3A_61 : memref<1x512xi32, #tpu.memory_space<hbm>>) target(%dma_start3A_59 : memref<1x512xi32, #tpu.memory_space<vmem>>) target_semaphore(%arg26 : memref<!tpu.dma_semaphore, #tpu.memory_space<semaphore_mem>>)
    %dma_wait3A = arith.constant 0 : i32
    %dma_wait3A_62 = arith.constant 0 : i32
    %dma_wait3A_63 = tpu.memref_slice %arg8[%dma_wait3A, %dma_wait3A_62] : memref<6x512xi32, #tpu.memory_space<vmem>> -> memref<1x512xi32, #tpu.memory_space<vmem>>
    %dma_wait3A_64 = arith.constant 0 : i32
    %dma_wait3A_65 = tpu.memref_slice %arg2[%dma_wait3A_64, %mul3A_2] : memref<3x16384xi32, #tpu.memory_space<hbm>> -> memref<1x512xi32, #tpu.memory_space<hbm>>
    %dma_wait3A_66 = arith.constant 0 : i32
    %dma_wait3A_67 = arith.constant 0 : i32
    %dma_wait3A_68 = tpu.memref_slice %arg8[%dma_wait3A_66, %dma_wait3A_67] : memref<6x512xi32, #tpu.memory_space<vmem>> -> memref<1x512xi32, #tpu.memory_space<vmem>>
    %dma_wait3A_69 = arith.constant 0 : i32
    %dma_wait3A_70 = tpu.memref_slice %arg2[%dma_wait3A_69, %mul3A_2] : memref<3x16384xi32, #tpu.memory_space<hbm>> -> memref<1x512xi32, #tpu.memory_space<hbm>>
    tpu.wait_dma2 semaphore(%arg26 : memref<!tpu.dma_semaphore, #tpu.memory_space<semaphore_mem>>) src(%dma_wait3A_70 : memref<1x512xi32, #tpu.memory_space<hbm>>) dst(%dma_wait3A_68 : memref<1x512xi32, #tpu.memory_space<vmem>>)
    %dma_wait3A_71 = arith.constant 1 : i32
    %dma_wait3A_72 = arith.constant 0 : i32
    %dma_wait3A_73 = tpu.memref_slice %arg8[%dma_wait3A_71, %dma_wait3A_72] : memref<6x512xi32, #tpu.memory_space<vmem>> -> memref<1x512xi32, #tpu.memory_space<vmem>>
    %dma_wait3A_74 = arith.constant 1 : i32
    %dma_wait3A_75 = tpu.memref_slice %arg2[%dma_wait3A_74, %mul3A_2] : memref<3x16384xi32, #tpu.memory_space<hbm>> -> memref<1x512xi32, #tpu.memory_space<hbm>>
    %dma_wait3A_76 = arith.constant 1 : i32
    %dma_wait3A_77 = arith.constant 0 : i32
    %dma_wait3A_78 = tpu.memref_slice %arg8[%dma_wait3A_76, %dma_wait3A_77] : memref<6x512xi32, #tpu.memory_space<vmem>> -> memref<1x512xi32, #tpu.memory_space<vmem>>
    %dma_wait3A_79 = arith.constant 1 : i32
    %dma_wait3A_80 = tpu.memref_slice %arg2[%dma_wait3A_79, %mul3A_2] : memref<3x16384xi32, #tpu.memory_space<hbm>> -> memref<1x512xi32, #tpu.memory_space<hbm>>
    tpu.wait_dma2 semaphore(%arg26 : memref<!tpu.dma_semaphore, #tpu.memory_space<semaphore_mem>>) src(%dma_wait3A_80 : memref<1x512xi32, #tpu.memory_space<hbm>>) dst(%dma_wait3A_78 : memref<1x512xi32, #tpu.memory_space<vmem>>)
    %dma_wait3A_81 = arith.constant 2 : i32
    %dma_wait3A_82 = arith.constant 0 : i32
    %dma_wait3A_83 = tpu.memref_slice %arg8[%dma_wait3A_81, %dma_wait3A_82] : memref<6x512xi32, #tpu.memory_space<vmem>> -> memref<1x512xi32, #tpu.memory_space<vmem>>
    %dma_wait3A_84 = arith.constant 2 : i32
    %dma_wait3A_85 = tpu.memref_slice %arg2[%dma_wait3A_84, %mul3A_2] : memref<3x16384xi32, #tpu.memory_space<hbm>> -> memref<1x512xi32, #tpu.memory_space<hbm>>
    %dma_wait3A_86 = arith.constant 2 : i32
    %dma_wait3A_87 = arith.constant 0 : i32
    %dma_wait3A_88 = tpu.memref_slice %arg8[%dma_wait3A_86, %dma_wait3A_87] : memref<6x512xi32, #tpu.memory_space<vmem>> -> memref<1x512xi32, #tpu.memory_space<vmem>>
    %dma_wait3A_89 = arith.constant 2 : i32
    %dma_wait3A_90 = tpu.memref_slice %arg2[%dma_wait3A_89, %mul3A_2] : memref<3x16384xi32, #tpu.memory_space<hbm>> -> memref<1x512xi32, #tpu.memory_space<hbm>>
    tpu.wait_dma2 semaphore(%arg26 : memref<!tpu.dma_semaphore, #tpu.memory_space<semaphore_mem>>) src(%dma_wait3A_90 : memref<1x512xi32, #tpu.memory_space<hbm>>) dst(%dma_wait3A_88 : memref<1x512xi32, #tpu.memory_space<vmem>>)
    %dma_wait3A_91 = arith.constant 3 : i32
    %dma_wait3A_92 = arith.constant 0 : i32
    %dma_wait3A_93 = tpu.memref_slice %arg8[%dma_wait3A_91, %dma_wait3A_92] : memref<6x512xi32, #tpu.memory_space<vmem>> -> memref<1x512xi32, #tpu.memory_space<vmem>>
    %dma_wait3A_94 = arith.constant 0 : i32
    %dma_wait3A_95 = tpu.memref_slice %arg3[%dma_wait3A_94, %mul3A_2] : memref<3x16384xi32, #tpu.memory_space<hbm>> -> memref<1x512xi32, #tpu.memory_space<hbm>>
    %dma_wait3A_96 = arith.constant 3 : i32
    %dma_wait3A_97 = arith.constant 0 : i32
    %dma_wait3A_98 = tpu.memref_slice %arg8[%dma_wait3A_96, %dma_wait3A_97] : memref<6x512xi32, #tpu.memory_space<vmem>> -> memref<1x512xi32, #tpu.memory_space<vmem>>
    %dma_wait3A_99 = arith.constant 0 : i32
    %dma_wait3A_100 = tpu.memref_slice %arg3[%dma_wait3A_99, %mul3A_2] : memref<3x16384xi32, #tpu.memory_space<hbm>> -> memref<1x512xi32, #tpu.memory_space<hbm>>
    tpu.wait_dma2 semaphore(%arg26 : memref<!tpu.dma_semaphore, #tpu.memory_space<semaphore_mem>>) src(%dma_wait3A_100 : memref<1x512xi32, #tpu.memory_space<hbm>>) dst(%dma_wait3A_98 : memref<1x512xi32, #tpu.memory_space<vmem>>)
    %dma_wait3A_101 = arith.constant 4 : i32
    %dma_wait3A_102 = arith.constant 0 : i32
    %dma_wait3A_103 = tpu.memref_slice %arg8[%dma_wait3A_101, %dma_wait3A_102] : memref<6x512xi32, #tpu.memory_space<vmem>> -> memref<1x512xi32, #tpu.memory_space<vmem>>
    %dma_wait3A_104 = arith.constant 1 : i32
    %dma_wait3A_105 = tpu.memref_slice %arg3[%dma_wait3A_104, %mul3A_2] : memref<3x16384xi32, #tpu.memory_space<hbm>> -> memref<1x512xi32, #tpu.memory_space<hbm>>
    %dma_wait3A_106 = arith.constant 4 : i32
    %dma_wait3A_107 = arith.constant 0 : i32
    %dma_wait3A_108 = tpu.memref_slice %arg8[%dma_wait3A_106, %dma_wait3A_107] : memref<6x512xi32, #tpu.memory_space<vmem>> -> memref<1x512xi32, #tpu.memory_space<vmem>>
    %dma_wait3A_109 = arith.constant 1 : i32
    %dma_wait3A_110 = tpu.memref_slice %arg3[%dma_wait3A_109, %mul3A_2] : memref<3x16384xi32, #tpu.memory_space<hbm>> -> memref<1x512xi32, #tpu.memory_space<hbm>>
    tpu.wait_dma2 semaphore(%arg26 : memref<!tpu.dma_semaphore, #tpu.memory_space<semaphore_mem>>) src(%dma_wait3A_110 : memref<1x512xi32, #tpu.memory_space<hbm>>) dst(%dma_wait3A_108 : memref<1x512xi32, #tpu.memory_space<vmem>>)
    %dma_wait3A_111 = arith.constant 5 : i32
    %dma_wait3A_112 = arith.constant 0 : i32
    %dma_wait3A_113 = tpu.memref_slice %arg8[%dma_wait3A_111, %dma_wait3A_112] : memref<6x512xi32, #tpu.memory_space<vmem>> -> memref<1x512xi32, #tpu.memory_space<vmem>>
    %dma_wait3A_114 = arith.constant 2 : i32
    %dma_wait3A_115 = tpu.memref_slice %arg3[%dma_wait3A_114, %mul3A_2] : memref<3x16384xi32, #tpu.memory_space<hbm>> -> memref<1x512xi32, #tpu.memory_space<hbm>>
    %dma_wait3A_116 = arith.constant 5 : i32
    %dma_wait3A_117 = arith.constant 0 : i32
    %dma_wait3A_118 = tpu.memref_slice %arg8[%dma_wait3A_116, %dma_wait3A_117] : memref<6x512xi32, #tpu.memory_space<vmem>> -> memref<1x512xi32, #tpu.memory_space<vmem>>
    %dma_wait3A_119 = arith.constant 2 : i32
    %dma_wait3A_120 = tpu.memref_slice %arg3[%dma_wait3A_119, %mul3A_2] : memref<3x16384xi32, #tpu.memory_space<hbm>> -> memref<1x512xi32, #tpu.memory_space<hbm>>
    tpu.wait_dma2 semaphore(%arg26 : memref<!tpu.dma_semaphore, #tpu.memory_space<semaphore_mem>>) src(%dma_wait3A_120 : memref<1x512xi32, #tpu.memory_space<hbm>>) dst(%dma_wait3A_118 : memref<1x512xi32, #tpu.memory_space<vmem>>)
    %dma_start3A_121 = arith.constant 0 : i32
    %dma_start3A_122 = arith.constant 0 : i32
    %dma_start3A_123 = tpu.memref_slice %arg8[%dma_start3A_121, %dma_start3A_122] : memref<6x512xi32, #tpu.memory_space<vmem>> -> memref<1x64xi32, #tpu.memory_space<vmem>>
    %dma_start3A_124 = tpu.memref_squeeze %dma_start3A_123 : memref<1x64xi32, #tpu.memory_space<vmem>> -> memref<64xi32, #tpu.memory_space<vmem>>
    %dma_start3A_125 = arith.constant 0 : i32
    %dma_start3A_126 = arith.constant 0 : i32
    %dma_start3A_127 = tpu.memref_slice %arg4[%dma_start3A_125, %dma_start3A_126] : memref<1000000x128xf32, #tpu.memory_space<hbm>> -> memref<1000000x128xf32, #tpu.memory_space<hbm>>
    tpu.enqueue_indirect_dma source(%dma_start3A_127 : memref<1000000x128xf32, #tpu.memory_space<hbm>>) target(%arg9 : memref<64x128xf32, #tpu.memory_space<vmem>>) offsets(%dma_start3A_124 : memref<64xi32, #tpu.memory_space<vmem>>) semaphore(%arg22 : memref<!tpu.dma_semaphore, #tpu.memory_space<semaphore_mem>>)
    %dma_start3A_128 = arith.constant 1 : i32
    %dma_start3A_129 = arith.constant 0 : i32
    %dma_start3A_130 = tpu.memref_slice %arg8[%dma_start3A_128, %dma_start3A_129] : memref<6x512xi32, #tpu.memory_space<vmem>> -> memref<1x64xi32, #tpu.memory_space<vmem>>
    %dma_start3A_131 = tpu.memref_squeeze %dma_start3A_130 : memref<1x64xi32, #tpu.memory_space<vmem>> -> memref<64xi32, #tpu.memory_space<vmem>>
    %dma_start3A_132 = arith.constant 0 : i32
    %dma_start3A_133 = arith.constant 0 : i32
    %dma_start3A_134 = tpu.memref_slice %arg5[%dma_start3A_132, %dma_start3A_133] : memref<100000x128xf32, #tpu.memory_space<hbm>> -> memref<100000x128xf32, #tpu.memory_space<hbm>>
    tpu.enqueue_indirect_dma source(%dma_start3A_134 : memref<100000x128xf32, #tpu.memory_space<hbm>>) target(%arg10 : memref<64x128xf32, #tpu.memory_space<vmem>>) offsets(%dma_start3A_131 : memref<64xi32, #tpu.memory_space<vmem>>) semaphore(%arg22 : memref<!tpu.dma_semaphore, #tpu.memory_space<semaphore_mem>>)
    %dma_start3A_135 = arith.constant 2 : i32
    %dma_start3A_136 = arith.constant 0 : i32
    %dma_start3A_137 = tpu.memref_slice %arg8[%dma_start3A_135, %dma_start3A_136] : memref<6x512xi32, #tpu.memory_space<vmem>> -> memref<1x64xi32, #tpu.memory_space<vmem>>
    %dma_start3A_138 = tpu.memref_squeeze %dma_start3A_137 : memref<1x64xi32, #tpu.memory_space<vmem>> -> memref<64xi32, #tpu.memory_space<vmem>>
    %dma_start3A_139 = arith.constant 0 : i32
    %dma_start3A_140 = arith.constant 0 : i32
    %dma_start3A_141 = tpu.memref_slice %arg4[%dma_start3A_139, %dma_start3A_140] : memref<1000000x128xf32, #tpu.memory_space<hbm>> -> memref<1000000x128xf32, #tpu.memory_space<hbm>>
    tpu.enqueue_indirect_dma source(%dma_start3A_141 : memref<1000000x128xf32, #tpu.memory_space<hbm>>) target(%arg11 : memref<64x128xf32, #tpu.memory_space<vmem>>) offsets(%dma_start3A_138 : memref<64xi32, #tpu.memory_space<vmem>>) semaphore(%arg22 : memref<!tpu.dma_semaphore, #tpu.memory_space<semaphore_mem>>)
    %dma_start3A_142 = arith.constant 0 : i32
    %dma_start3A_143 = arith.constant 64 : i32
    %dma_start3A_144 = tpu.memref_slice %arg8[%dma_start3A_142, %dma_start3A_143] : memref<6x512xi32, #tpu.memory_space<vmem>> -> memref<1x64xi32, #tpu.memory_space<vmem>>
    %dma_start3A_145 = tpu.memref_squeeze %dma_start3A_144 : memref<1x64xi32, #tpu.memory_space<vmem>> -> memref<64xi32, #tpu.memory_space<vmem>>
    %dma_start3A_146 = arith.constant 0 : i32
    %dma_start3A_147 = arith.constant 0 : i32
    %dma_start3A_148 = tpu.memref_slice %arg4[%dma_start3A_146, %dma_start3A_147] : memref<1000000x128xf32, #tpu.memory_space<hbm>> -> memref<1000000x128xf32, #tpu.memory_space<hbm>>
    tpu.enqueue_indirect_dma source(%dma_start3A_148 : memref<1000000x128xf32, #tpu.memory_space<hbm>>) target(%arg12 : memref<64x128xf32, #tpu.memory_space<vmem>>) offsets(%dma_start3A_145 : memref<64xi32, #tpu.memory_space<vmem>>) semaphore(%arg23 : memref<!tpu.dma_semaphore, #tpu.memory_space<semaphore_mem>>)
    %dma_start3A_149 = arith.constant 1 : i32
    %dma_start3A_150 = arith.constant 64 : i32
    %dma_start3A_151 = tpu.memref_slice %arg8[%dma_start3A_149, %dma_start3A_150] : memref<6x512xi32, #tpu.memory_space<vmem>> -> memref<1x64xi32, #tpu.memory_space<vmem>>
    %dma_start3A_152 = tpu.memref_squeeze %dma_start3A_151 : memref<1x64xi32, #tpu.memory_space<vmem>> -> memref<64xi32, #tpu.memory_space<vmem>>
    %dma_start3A_153 = arith.constant 0 : i32
    %dma_start3A_154 = arith.constant 0 : i32
    %dma_start3A_155 = tpu.memref_slice %arg5[%dma_start3A_153, %dma_start3A_154] : memref<100000x128xf32, #tpu.memory_space<hbm>> -> memref<100000x128xf32, #tpu.memory_space<hbm>>
    tpu.enqueue_indirect_dma source(%dma_start3A_155 : memref<100000x128xf32, #tpu.memory_space<hbm>>) target(%arg13 : memref<64x128xf32, #tpu.memory_space<vmem>>) offsets(%dma_start3A_152 : memref<64xi32, #tpu.memory_space<vmem>>) semaphore(%arg23 : memref<!tpu.dma_semaphore, #tpu.memory_space<semaphore_mem>>)
    %dma_start3A_156 = arith.constant 2 : i32
    %dma_start3A_157 = arith.constant 64 : i32
    %dma_start3A_158 = tpu.memref_slice %arg8[%dma_start3A_156, %dma_start3A_157] : memref<6x512xi32, #tpu.memory_space<vmem>> -> memref<1x64xi32, #tpu.memory_space<vmem>>
    %dma_start3A_159 = tpu.memref_squeeze %dma_start3A_158 : memref<1x64xi32, #tpu.memory_space<vmem>> -> memref<64xi32, #tpu.memory_space<vmem>>
    %dma_start3A_160 = arith.constant 0 : i32
    %dma_start3A_161 = arith.constant 0 : i32
    %dma_start3A_162 = tpu.memref_slice %arg4[%dma_start3A_160, %dma_start3A_161] : memref<1000000x128xf32, #tpu.memory_space<hbm>> -> memref<1000000x128xf32, #tpu.memory_space<hbm>>
    tpu.enqueue_indirect_dma source(%dma_start3A_162 : memref<1000000x128xf32, #tpu.memory_space<hbm>>) target(%arg14 : memref<64x128xf32, #tpu.memory_space<vmem>>) offsets(%dma_start3A_159 : memref<64xi32, #tpu.memory_space<vmem>>) semaphore(%arg23 : memref<!tpu.dma_semaphore, #tpu.memory_space<semaphore_mem>>)
    %dma_start3A_163 = arith.constant 0 : i32
    %dma_start3A_164 = arith.constant 128 : i32
    %dma_start3A_165 = tpu.memref_slice %arg8[%dma_start3A_163, %dma_start3A_164] : memref<6x512xi32, #tpu.memory_space<vmem>> -> memref<1x64xi32, #tpu.memory_space<vmem>>
    %dma_start3A_166 = tpu.memref_squeeze %dma_start3A_165 : memref<1x64xi32, #tpu.memory_space<vmem>> -> memref<64xi32, #tpu.memory_space<vmem>>
    %dma_start3A_167 = arith.constant 0 : i32
    %dma_start3A_168 = arith.constant 0 : i32
    %dma_start3A_169 = tpu.memref_slice %arg4[%dma_start3A_167, %dma_start3A_168] : memref<1000000x128xf32, #tpu.memory_space<hbm>> -> memref<1000000x128xf32, #tpu.memory_space<hbm>>
    tpu.enqueue_indirect_dma source(%dma_start3A_169 : memref<1000000x128xf32, #tpu.memory_space<hbm>>) target(%arg15 : memref<64x128xf32, #tpu.memory_space<vmem>>) offsets(%dma_start3A_166 : memref<64xi32, #tpu.memory_space<vmem>>) semaphore(%arg24 : memref<!tpu.dma_semaphore, #tpu.memory_space<semaphore_mem>>)
    %dma_start3A_170 = arith.constant 1 : i32
    %dma_start3A_171 = arith.constant 128 : i32
    %dma_start3A_172 = tpu.memref_slice %arg8[%dma_start3A_170, %dma_start3A_171] : memref<6x512xi32, #tpu.memory_space<vmem>> -> memref<1x64xi32, #tpu.memory_space<vmem>>
    %dma_start3A_173 = tpu.memref_squeeze %dma_start3A_172 : memref<1x64xi32, #tpu.memory_space<vmem>> -> memref<64xi32, #tpu.memory_space<vmem>>
    %dma_start3A_174 = arith.constant 0 : i32
    %dma_start3A_175 = arith.constant 0 : i32
    %dma_start3A_176 = tpu.memref_slice %arg5[%dma_start3A_174, %dma_start3A_175] : memref<100000x128xf32, #tpu.memory_space<hbm>> -> memref<100000x128xf32, #tpu.memory_space<hbm>>
    tpu.enqueue_indirect_dma source(%dma_start3A_176 : memref<100000x128xf32, #tpu.memory_space<hbm>>) target(%arg16 : memref<64x128xf32, #tpu.memory_space<vmem>>) offsets(%dma_start3A_173 : memref<64xi32, #tpu.memory_space<vmem>>) semaphore(%arg24 : memref<!tpu.dma_semaphore, #tpu.memory_space<semaphore_mem>>)
    %dma_start3A_177 = arith.constant 2 : i32
    %dma_start3A_178 = arith.constant 128 : i32
    %dma_start3A_179 = tpu.memref_slice %arg8[%dma_start3A_177, %dma_start3A_178] : memref<6x512xi32, #tpu.memory_space<vmem>> -> memref<1x64xi32, #tpu.memory_space<vmem>>
    %dma_start3A_180 = tpu.memref_squeeze %dma_start3A_179 : memref<1x64xi32, #tpu.memory_space<vmem>> -> memref<64xi32, #tpu.memory_space<vmem>>
    %dma_start3A_181 = arith.constant 0 : i32
    %dma_start3A_182 = arith.constant 0 : i32
    %dma_start3A_183 = tpu.memref_slice %arg4[%dma_start3A_181, %dma_start3A_182] : memref<1000000x128xf32, #tpu.memory_space<hbm>> -> memref<1000000x128xf32, #tpu.memory_space<hbm>>
    tpu.enqueue_indirect_dma source(%dma_start3A_183 : memref<1000000x128xf32, #tpu.memory_space<hbm>>) target(%arg17 : memref<64x128xf32, #tpu.memory_space<vmem>>) offsets(%dma_start3A_180 : memref<64xi32, #tpu.memory_space<vmem>>) semaphore(%arg24 : memref<!tpu.dma_semaphore, #tpu.memory_space<semaphore_mem>>)
    %dma_start3A_184 = arith.constant 0 : i32
    %dma_start3A_185 = arith.constant 192 : i32
    %dma_start3A_186 = tpu.memref_slice %arg8[%dma_start3A_184, %dma_start3A_185] : memref<6x512xi32, #tpu.memory_space<vmem>> -> memref<1x64xi32, #tpu.memory_space<vmem>>
    %dma_start3A_187 = tpu.memref_squeeze %dma_start3A_186 : memref<1x64xi32, #tpu.memory_space<vmem>> -> memref<64xi32, #tpu.memory_space<vmem>>
    %dma_start3A_188 = arith.constant 0 : i32
    %dma_start3A_189 = arith.constant 0 : i32
    %dma_start3A_190 = tpu.memref_slice %arg4[%dma_start3A_188, %dma_start3A_189] : memref<1000000x128xf32, #tpu.memory_space<hbm>> -> memref<1000000x128xf32, #tpu.memory_space<hbm>>
    tpu.enqueue_indirect_dma source(%dma_start3A_190 : memref<1000000x128xf32, #tpu.memory_space<hbm>>) target(%arg18 : memref<64x128xf32, #tpu.memory_space<vmem>>) offsets(%dma_start3A_187 : memref<64xi32, #tpu.memory_space<vmem>>) semaphore(%arg25 : memref<!tpu.dma_semaphore, #tpu.memory_space<semaphore_mem>>)
    %dma_start3A_191 = arith.constant 1 : i32
    %dma_start3A_192 = arith.constant 192 : i32
    %dma_start3A_193 = tpu.memref_slice %arg8[%dma_start3A_191, %dma_start3A_192] : memref<6x512xi32, #tpu.memory_space<vmem>> -> memref<1x64xi32, #tpu.memory_space<vmem>>
    %dma_start3A_194 = tpu.memref_squeeze %dma_start3A_193 : memref<1x64xi32, #tpu.memory_space<vmem>> -> memref<64xi32, #tpu.memory_space<vmem>>
    %dma_start3A_195 = arith.constant 0 : i32
    %dma_start3A_196 = arith.constant 0 : i32
    %dma_start3A_197 = tpu.memref_slice %arg5[%dma_start3A_195, %dma_start3A_196] : memref<100000x128xf32, #tpu.memory_space<hbm>> -> memref<100000x128xf32, #tpu.memory_space<hbm>>
    tpu.enqueue_indirect_dma source(%dma_start3A_197 : memref<100000x128xf32, #tpu.memory_space<hbm>>) target(%arg19 : memref<64x128xf32, #tpu.memory_space<vmem>>) offsets(%dma_start3A_194 : memref<64xi32, #tpu.memory_space<vmem>>) semaphore(%arg25 : memref<!tpu.dma_semaphore, #tpu.memory_space<semaphore_mem>>)
    %dma_start3A_198 = arith.constant 2 : i32
    %dma_start3A_199 = arith.constant 192 : i32
    %dma_start3A_200 = tpu.memref_slice %arg8[%dma_start3A_198, %dma_start3A_199] : memref<6x512xi32, #tpu.memory_space<vmem>> -> memref<1x64xi32, #tpu.memory_space<vmem>>
    %dma_start3A_201 = tpu.memref_squeeze %dma_start3A_200 : memref<1x64xi32, #tpu.memory_space<vmem>> -> memref<64xi32, #tpu.memory_space<vmem>>
    %dma_start3A_202 = arith.constant 0 : i32
    %dma_start3A_203 = arith.constant 0 : i32
    %dma_start3A_204 = tpu.memref_slice %arg4[%dma_start3A_202, %dma_start3A_203] : memref<1000000x128xf32, #tpu.memory_space<hbm>> -> memref<1000000x128xf32, #tpu.memory_space<hbm>>
    tpu.enqueue_indirect_dma source(%dma_start3A_204 : memref<1000000x128xf32, #tpu.memory_space<hbm>>) target(%arg20 : memref<64x128xf32, #tpu.memory_space<vmem>>) offsets(%dma_start3A_201 : memref<64xi32, #tpu.memory_space<vmem>>) semaphore(%arg25 : memref<!tpu.dma_semaphore, #tpu.memory_space<semaphore_mem>>)
    %scan3A = arith.constant 0 : i32
    %scan3A_205 = arith.constant 0 : i32
    %scan3A_206 = arith.constant 4 : i32
    %scan3A_207 = arith.addi %scan3A_205, %scan3A_206 : i32
    %scan3A_208 = arith.constant 1 : i32
    %scan3A_209 = scf.for %scan3A_217 = %scan3A_205 to %scan3A_207 step %scan3A_208 iter_args(%scan3A_218 = %scan3A) -> (i32)  : i32 {
      %mul3A_219 = arith.constant 4 : i32
      %mul3A_220 = arith.muli %mul3A_219, %scan3A_217 : i32
      %add3A_221 = arith.constant 0 : i32
      %add3A_222 = arith.addi %mul3A_220, %add3A_221 : i32
      %dma_wait3A_223 = arith.constant 0 : i32
      %dma_wait3A_224 = arith.constant 0 : i32
      %dma_wait3A_225 = tpu.memref_slice %arg4[%dma_wait3A_223, %dma_wait3A_224] : memref<1000000x128xf32, #tpu.memory_space<hbm>> -> memref<64x128xf32, #tpu.memory_space<hbm>>
      %dma_wait3A_226 = arith.constant 0 : i32
      %dma_wait3A_227 = arith.constant 0 : i32
      %dma_wait3A_228 = tpu.memref_slice %arg4[%dma_wait3A_226, %dma_wait3A_227] : memref<1000000x128xf32, #tpu.memory_space<hbm>> -> memref<64x128xf32, #tpu.memory_space<hbm>>
      tpu.wait_dma2 semaphore(%arg22 : memref<!tpu.dma_semaphore, #tpu.memory_space<semaphore_mem>>) src(%dma_wait3A_228 : memref<64x128xf32, #tpu.memory_space<hbm>>) dst(%arg9 : memref<64x128xf32, #tpu.memory_space<vmem>>)
      %dma_wait3A_229 = arith.constant 0 : i32
      %dma_wait3A_230 = arith.constant 0 : i32
      %dma_wait3A_231 = tpu.memref_slice %arg4[%dma_wait3A_229, %dma_wait3A_230] : memref<1000000x128xf32, #tpu.memory_space<hbm>> -> memref<64x128xf32, #tpu.memory_space<hbm>>
      %dma_wait3A_232 = arith.constant 0 : i32
      %dma_wait3A_233 = arith.constant 0 : i32
      %dma_wait3A_234 = tpu.memref_slice %arg4[%dma_wait3A_232, %dma_wait3A_233] : memref<1000000x128xf32, #tpu.memory_space<hbm>> -> memref<64x128xf32, #tpu.memory_space<hbm>>
      tpu.wait_dma2 semaphore(%arg22 : memref<!tpu.dma_semaphore, #tpu.memory_space<semaphore_mem>>) src(%dma_wait3A_234 : memref<64x128xf32, #tpu.memory_space<hbm>>) dst(%arg10 : memref<64x128xf32, #tpu.memory_space<vmem>>)
      %dma_wait3A_235 = arith.constant 0 : i32
      %dma_wait3A_236 = arith.constant 0 : i32
      %dma_wait3A_237 = tpu.memref_slice %arg4[%dma_wait3A_235, %dma_wait3A_236] : memref<1000000x128xf32, #tpu.memory_space<hbm>> -> memref<64x128xf32, #tpu.memory_space<hbm>>
      %dma_wait3A_238 = arith.constant 0 : i32
      %dma_wait3A_239 = arith.constant 0 : i32
      %dma_wait3A_240 = tpu.memref_slice %arg4[%dma_wait3A_238, %dma_wait3A_239] : memref<1000000x128xf32, #tpu.memory_space<hbm>> -> memref<64x128xf32, #tpu.memory_space<hbm>>
      tpu.wait_dma2 semaphore(%arg22 : memref<!tpu.dma_semaphore, #tpu.memory_space<semaphore_mem>>) src(%dma_wait3A_240 : memref<64x128xf32, #tpu.memory_space<hbm>>) dst(%arg11 : memref<64x128xf32, #tpu.memory_space<vmem>>)
      %mul3A_241 = arith.constant 64 : i32
      %mul3A_242 = arith.muli %add3A_222, %mul3A_241 : i32
      %iota3A = tpu.iota {dimensions = array<i32: 0>} : vector<16xi32>
      %scan3A_243 = arith.constant 0 : i32
      %scan3A_244 = arith.constant 0 : i32
      %scan3A_245 = arith.constant 4 : i32
      %scan3A_246 = arith.addi %scan3A_244, %scan3A_245 : i32
      %scan3A_247 = arith.constant 1 : i32
      %scan3A_248 = scf.for %scan3A_391 = %scan3A_244 to %scan3A_246 step %scan3A_247 iter_args(%scan3A_392 = %scan3A_243) -> (i32)  : i32 {
        %broadcast_in_dim3A = arith.constant 0.000000e+00 : f32
        %broadcast_in_dim3A_393 = vector.broadcast %broadcast_in_dim3A : f32 to vector<16xf32>
        %scan3A_394 = arith.constant 0 : i32
        %scan3A_395 = arith.constant 16 : i32
        %scan3A_396 = arith.addi %scan3A_394, %scan3A_395 : i32
        %scan3A_397 = arith.constant 1 : i32
        %scan3A_398 = scf.for %scan3A_441 = %scan3A_394 to %scan3A_396 step %scan3A_397 iter_args(%scan3A_442 = %broadcast_in_dim3A_393) -> (vector<16xf32>)  : i32 {
          %mul3A_443 = arith.constant 16 : i32
          %mul3A_444 = arith.muli %scan3A_391, %mul3A_443 : i32
          %add3A_445 = arith.addi %mul3A_444, %scan3A_441 : i32
          %get3A = arith.index_cast %add3A_445 : i32 to index
          %get3A_446 = arith.constant 0 : index
          %get3A_447 = tpu.vector_load %arg9[%get3A, %get3A_446] {strides = array<i32>} : memref<64x128xf32, #tpu.memory_space<vmem>>, vector<16xf32>,
          %get3A_448 = arith.index_cast %add3A_445 : i32 to index
          %get3A_449 = arith.constant 0 : index
          %get3A_450 = tpu.vector_load %arg10[%get3A_448, %get3A_449] {strides = array<i32>} : memref<64x128xf32, #tpu.memory_space<vmem>>, vector<16xf32>,
          %add3A_451 = arith.addf %get3A_447, %get3A_450 : vector<16xf32>
          %get3A_452 = arith.index_cast %add3A_445 : i32 to index
          %get3A_453 = arith.constant 0 : index
          %get3A_454 = tpu.vector_load %arg11[%get3A_452, %get3A_453] {strides = array<i32>} : memref<64x128xf32, #tpu.memory_space<vmem>>, vector<16xf32>,
          %sub3A_455 = arith.subf %add3A_451, %get3A_454 : vector<16xf32>
          %mul3A_456 = arith.mulf %sub3A_455, %sub3A_455 : vector<16xf32>
          %get3A_457 = arith.index_cast %add3A_445 : i32 to index
          %get3A_458 = arith.constant 16 : index
          %get3A_459 = tpu.vector_load %arg9[%get3A_457, %get3A_458] {strides = array<i32>} : memref<64x128xf32, #tpu.memory_space<vmem>>, vector<16xf32>,
          %get3A_460 = arith.index_cast %add3A_445 : i32 to index
          %get3A_461 = arith.constant 16 : index
          %get3A_462 = tpu.vector_load %arg10[%get3A_460, %get3A_461] {strides = array<i32>} : memref<64x128xf32, #tpu.memory_space<vmem>>, vector<16xf32>,
          %add3A_463 = arith.addf %get3A_459, %get3A_462 : vector<16xf32>
          %get3A_464 = arith.index_cast %add3A_445 : i32 to index
          %get3A_465 = arith.constant 16 : index
          %get3A_466 = tpu.vector_load %arg11[%get3A_464, %get3A_465] {strides = array<i32>} : memref<64x128xf32, #tpu.memory_space<vmem>>, vector<16xf32>,
          %sub3A_467 = arith.subf %add3A_463, %get3A_466 : vector<16xf32>
          %mul3A_468 = arith.mulf %sub3A_467, %sub3A_467 : vector<16xf32>
          %get3A_469 = arith.index_cast %add3A_445 : i32 to index
          %get3A_470 = arith.constant 32 : index
          %get3A_471 = tpu.vector_load %arg9[%get3A_469, %get3A_470] {strides = array<i32>} : memref<64x128xf32, #tpu.memory_space<vmem>>, vector<16xf32>,
          %get3A_472 = arith.index_cast %add3A_445 : i32 to index
          %get3A_473 = arith.constant 32 : index
          %get3A_474 = tpu.vector_load %arg10[%get3A_472, %get3A_473] {strides = array<i32>} : memref<64x128xf32, #tpu.memory_space<vmem>>, vector<16xf32>,
          %add3A_475 = arith.addf %get3A_471, %get3A_474 : vector<16xf32>
          %get3A_476 = arith.index_cast %add3A_445 : i32 to index
          %get3A_477 = arith.constant 32 : index
          %get3A_478 = tpu.vector_load %arg11[%get3A_476, %get3A_477] {strides = array<i32>} : memref<64x128xf32, #tpu.memory_space<vmem>>, vector<16xf32>,
          %sub3A_479 = arith.subf %add3A_475, %get3A_478 : vector<16xf32>
          %mul3A_480 = arith.mulf %sub3A_479, %sub3A_479 : vector<16xf32>
          %get3A_481 = arith.index_cast %add3A_445 : i32 to index
          %get3A_482 = arith.constant 48 : index
          %get3A_483 = tpu.vector_load %arg9[%get3A_481, %get3A_482] {strides = array<i32>} : memref<64x128xf32, #tpu.memory_space<vmem>>, vector<16xf32>,
          %get3A_484 = arith.index_cast %add3A_445 : i32 to index
          %get3A_485 = arith.constant 48 : index
          %get3A_486 = tpu.vector_load %arg10[%get3A_484, %get3A_485] {strides = array<i32>} : memref<64x128xf32, #tpu.memory_space<vmem>>, vector<16xf32>,
          %add3A_487 = arith.addf %get3A_483, %get3A_486 : vector<16xf32>
          %get3A_488 = arith.index_cast %add3A_445 : i32 to index
          %get3A_489 = arith.constant 48 : index
          %get3A_490 = tpu.vector_load %arg11[%get3A_488, %get3A_489] {strides = array<i32>} : memref<64x128xf32, #tpu.memory_space<vmem>>, vector<16xf32>,
          %sub3A_491 = arith.subf %add3A_487, %get3A_490 : vector<16xf32>
          %mul3A_492 = arith.mulf %sub3A_491, %sub3A_491 : vector<16xf32>
          %get3A_493 = arith.index_cast %add3A_445 : i32 to index
          %get3A_494 = arith.constant 64 : index
          %get3A_495 = tpu.vector_load %arg9[%get3A_493, %get3A_494] {strides = array<i32>} : memref<64x128xf32, #tpu.memory_space<vmem>>, vector<16xf32>,
          %get3A_496 = arith.index_cast %add3A_445 : i32 to index
          %get3A_497 = arith.constant 64 : index
          %get3A_498 = tpu.vector_load %arg10[%get3A_496, %get3A_497] {strides = array<i32>} : memref<64x128xf32, #tpu.memory_space<vmem>>, vector<16xf32>,
          %add3A_499 = arith.addf %get3A_495, %get3A_498 : vector<16xf32>
          %get3A_500 = arith.index_cast %add3A_445 : i32 to index
          %get3A_501 = arith.constant 64 : index
          %get3A_502 = tpu.vector_load %arg11[%get3A_500, %get3A_501] {strides = array<i32>} : memref<64x128xf32, #tpu.memory_space<vmem>>, vector<16xf32>,
          %sub3A_503 = arith.subf %add3A_499, %get3A_502 : vector<16xf32>
          %mul3A_504 = arith.mulf %sub3A_503, %sub3A_503 : vector<16xf32>
          %get3A_505 = arith.index_cast %add3A_445 : i32 to index
          %get3A_506 = arith.constant 80 : index
          %get3A_507 = tpu.vector_load %arg9[%get3A_505, %get3A_506] {strides = array<i32>} : memref<64x128xf32, #tpu.memory_space<vmem>>, vector<16xf32>,
          %get3A_508 = arith.index_cast %add3A_445 : i32 to index
          %get3A_509 = arith.constant 80 : index
          %get3A_510 = tpu.vector_load %arg10[%get3A_508, %get3A_509] {strides = array<i32>} : memref<64x128xf32, #tpu.memory_space<vmem>>, vector<16xf32>,
          %add3A_511 = arith.addf %get3A_507, %get3A_510 : vector<16xf32>
          %get3A_512 = arith.index_cast %add3A_445 : i32 to index
          %get3A_513 = arith.constant 80 : index
          %get3A_514 = tpu.vector_load %arg11[%get3A_512, %get3A_513] {strides = array<i32>} : memref<64x128xf32, #tpu.memory_space<vmem>>, vector<16xf32>,
          %sub3A_515 = arith.subf %add3A_511, %get3A_514 : vector<16xf32>
          %mul3A_516 = arith.mulf %sub3A_515, %sub3A_515 : vector<16xf32>
          %get3A_517 = arith.index_cast %add3A_445 : i32 to index
          %get3A_518 = arith.constant 96 : index
          %get3A_519 = tpu.vector_load %arg9[%get3A_517, %get3A_518] {strides = array<i32>} : memref<64x128xf32, #tpu.memory_space<vmem>>, vector<16xf32>,
          %get3A_520 = arith.index_cast %add3A_445 : i32 to index
          %get3A_521 = arith.constant 96 : index
          %get3A_522 = tpu.vector_load %arg10[%get3A_520, %get3A_521] {strides = array<i32>} : memref<64x128xf32, #tpu.memory_space<vmem>>, vector<16xf32>,
          %add3A_523 = arith.addf %get3A_519, %get3A_522 : vector<16xf32>
          %get3A_524 = arith.index_cast %add3A_445 : i32 to index
          %get3A_525 = arith.constant 96 : index
          %get3A_526 = tpu.vector_load %arg11[%get3A_524, %get3A_525] {strides = array<i32>} : memref<64x128xf32, #tpu.memory_space<vmem>>, vector<16xf32>,
          %sub3A_527 = arith.subf %add3A_523, %get3A_526 : vector<16xf32>
          %mul3A_528 = arith.mulf %sub3A_527, %sub3A_527 : vector<16xf32>
          %get3A_529 = arith.index_cast %add3A_445 : i32 to index
          %get3A_530 = arith.constant 112 : index
          %get3A_531 = tpu.vector_load %arg9[%get3A_529, %get3A_530] {strides = array<i32>} : memref<64x128xf32, #tpu.memory_space<vmem>>, vector<16xf32>,
          %get3A_532 = arith.index_cast %add3A_445 : i32 to index
          %get3A_533 = arith.constant 112 : index
          %get3A_534 = tpu.vector_load %arg10[%get3A_532, %get3A_533] {strides = array<i32>} : memref<64x128xf32, #tpu.memory_space<vmem>>, vector<16xf32>,
          %add3A_535 = arith.addf %get3A_531, %get3A_534 : vector<16xf32>
          %get3A_536 = arith.index_cast %add3A_445 : i32 to index
          %get3A_537 = arith.constant 112 : index
          %get3A_538 = tpu.vector_load %arg11[%get3A_536, %get3A_537] {strides = array<i32>} : memref<64x128xf32, #tpu.memory_space<vmem>>, vector<16xf32>,
          %sub3A_539 = arith.subf %add3A_535, %get3A_538 : vector<16xf32>
          %mul3A_540 = arith.mulf %sub3A_539, %sub3A_539 : vector<16xf32>
          %add3A_541 = arith.addf %mul3A_456, %mul3A_468 : vector<16xf32>
          %add3A_542 = arith.addf %mul3A_480, %mul3A_492 : vector<16xf32>
          %add3A_543 = arith.addf %add3A_541, %add3A_542 : vector<16xf32>
          %add3A_544 = arith.addf %mul3A_504, %mul3A_516 : vector<16xf32>
          %add3A_545 = arith.addf %mul3A_528, %mul3A_540 : vector<16xf32>
          %add3A_546 = arith.addf %add3A_544, %add3A_545 : vector<16xf32>
          %add3A_547 = arith.addf %add3A_543, %add3A_546 : vector<16xf32>
          %reduce_sum3A = arith.constant true
          %reduce_sum3A_548 = vector.broadcast %reduce_sum3A : i1 to vector<16xi1>
          %reduce_sum3A_549 = tpu.scan <sum>, %add3A_547 masked %reduce_sum3A_548 : vector<16xf32>, vector<16xi1> -> vector<16xf32>
          %reduce_sum3A_550 = vector.extract %reduce_sum3A_549[15] : f32 from vector<16xf32>
          %eq3A_551 = vector.broadcast %scan3A_441 : i32 to vector<16xi32>
          %eq3A_552 = arith.cmpi eq, %iota3A, %eq3A_551 : vector<16xi32>
          %broadcast_in_dim3A_553 = vector.broadcast %reduce_sum3A_550 : f32 to vector<16xf32>
          %select_n3A = arith.select %eq3A_552, %broadcast_in_dim3A_553, %scan3A_442 : vector<16xi1>, vector<16xf32>
          scf.yield %select_n3A : vector<16xf32>
        }
        %scan3A_399 = arith.constant 16 : i32
        %add3A_400 = arith.constant 1.000000e-24 : f32
        %add3A_401 = vector.broadcast %add3A_400 : f32 to vector<16xf32>
        %add3A_402 = arith.addf %scan3A_398, %add3A_401 : vector<16xf32>
        %bitcast_convert_type3A = tpu.bitcast %add3A_402 : vector<16xf32> -> vector<16xi32>
        %shift_right_arithmetic3A = arith.constant 1 : i32
        %shift_right_arithmetic3A_403 = vector.broadcast %shift_right_arithmetic3A : i32 to vector<16xi32>
        %shift_right_arithmetic3A_404 = arith.shrsi %bitcast_convert_type3A, %shift_right_arithmetic3A_403 : vector<16xi32>
        %sub3A = arith.constant 1597463007 : i32
        %sub3A_405 = vector.broadcast %sub3A : i32 to vector<16xi32>
        %sub3A_406 = arith.subi %sub3A_405, %shift_right_arithmetic3A_404 : vector<16xi32>
        %bitcast_convert_type3A_407 = tpu.bitcast %sub3A_406 : vector<16xi32> -> vector<16xf32>
        %mul3A_408 = arith.constant 5.000000e-01 : f32
        %mul3A_409 = vector.broadcast %mul3A_408 : f32 to vector<16xf32>
        %mul3A_410 = arith.mulf %mul3A_409, %add3A_402 : vector<16xf32>
        %mul3A_411 = arith.mulf %mul3A_410, %bitcast_convert_type3A_407 : vector<16xf32>
        %mul3A_412 = arith.mulf %mul3A_411, %bitcast_convert_type3A_407 : vector<16xf32>
        %sub3A_413 = arith.constant 1.500000e+00 : f32
        %sub3A_414 = vector.broadcast %sub3A_413 : f32 to vector<16xf32>
        %sub3A_415 = arith.subf %sub3A_414, %mul3A_412 : vector<16xf32>
        %mul3A_416 = arith.mulf %bitcast_convert_type3A_407, %sub3A_415 : vector<16xf32>
        %mul3A_417 = arith.constant 5.000000e-01 : f32
        %mul3A_418 = vector.broadcast %mul3A_417 : f32 to vector<16xf32>
        %mul3A_419 = arith.mulf %mul3A_418, %add3A_402 : vector<16xf32>
        %mul3A_420 = arith.mulf %mul3A_419, %mul3A_416 : vector<16xf32>
        %mul3A_421 = arith.mulf %mul3A_420, %mul3A_416 : vector<16xf32>
        %sub3A_422 = arith.constant 1.500000e+00 : f32
        %sub3A_423 = vector.broadcast %sub3A_422 : f32 to vector<16xf32>
        %sub3A_424 = arith.subf %sub3A_423, %mul3A_421 : vector<16xf32>
        %mul3A_425 = arith.mulf %mul3A_416, %sub3A_424 : vector<16xf32>
        %mul3A_426 = arith.constant 5.000000e-01 : f32
        %mul3A_427 = vector.broadcast %mul3A_426 : f32 to vector<16xf32>
        %mul3A_428 = arith.mulf %mul3A_427, %add3A_402 : vector<16xf32>
        %mul3A_429 = arith.mulf %mul3A_428, %mul3A_425 : vector<16xf32>
        %mul3A_430 = arith.mulf %mul3A_429, %mul3A_425 : vector<16xf32>
        %sub3A_431 = arith.constant 1.500000e+00 : f32
        %sub3A_432 = vector.broadcast %sub3A_431 : f32 to vector<16xf32>
        %sub3A_433 = arith.subf %sub3A_432, %mul3A_430 : vector<16xf32>
        %mul3A_434 = arith.mulf %mul3A_425, %sub3A_433 : vector<16xf32>
        %mul3A_435 = arith.mulf %add3A_402, %mul3A_434 : vector<16xf32>
        %mul3A_436 = arith.constant 16 : i32
        %mul3A_437 = arith.muli %scan3A_391, %mul3A_436 : i32
        %add3A_438 = arith.addi %mul3A_242, %mul3A_437 : i32
        %swap3A = arith.index_cast %add3A_438 : i32 to index
        %swap3A_439 = tpu.vector_load %arg21[%swap3A] {strides = array<i32>} : memref<1024xf32, #tpu.memory_space<vmem>>, vector<16xf32>,
        tpu.vector_store %arg21[%swap3A], %mul3A_435 {strides = array<i32>} : memref<1024xf32, #tpu.memory_space<vmem>>, vector<16xf32>,
        %scan3A_440 = arith.constant 0 : i32
        scf.yield %scan3A_440 : i32
      }
      %scan3A_249 = arith.constant 4 : i32
      %add3A_250 = arith.constant 4 : i32
      %add3A_251 = arith.addi %add3A_222, %add3A_250 : i32
      %lt3A = arith.constant 16 : i32
      %lt3A_252 = arith.cmpi slt, %add3A_251, %lt3A : i32
      %convert_element_type3A = arith.extui %lt3A_252 : i1 to i32
      %cond3A = arith.constant 0 : i32
      %cond3A_253 = arith.cmpi ne, %convert_element_type3A, %cond3A : i32
      scf.if %cond3A_253 {
        %add3A_391 = arith.constant 4 : i32
        %add3A_392 = arith.addi %add3A_222, %add3A_391 : i32
        %jit3A = arith.constant 8 : i32
        %div3A = arith.divsi %add3A_392, %jit3A : i32
        %sign3A = arith.constant 0 : i32
        %sign3A_393 = arith.cmpi sgt, %add3A_392, %sign3A : i32
        %sign3A_394 = arith.extui %sign3A_393 : i1 to i32
        %sign3A_395 = arith.constant 0 : i32
        %sign3A_396 = arith.cmpi slt, %add3A_392, %sign3A_395 : i32
        %sign3A_397 = arith.extui %sign3A_396 : i1 to i32
        %sign3A_398 = arith.subi %sign3A_394, %sign3A_397 : i32
        %sign3A_399 = arith.constant 0 : i32
        %sign3A_400 = arith.cmpi sgt, %jit3A, %sign3A_399 : i32
        %sign3A_401 = arith.extui %sign3A_400 : i1 to i32
        %sign3A_402 = arith.constant 0 : i32
        %sign3A_403 = arith.cmpi slt, %jit3A, %sign3A_402 : i32
        %sign3A_404 = arith.extui %sign3A_403 : i1 to i32
        %sign3A_405 = arith.subi %sign3A_401, %sign3A_404 : i32
        %ne3A = arith.cmpi ne, %sign3A_398, %sign3A_405 : i32
        %rem3A = arith.remsi %add3A_392, %jit3A : i32
        %ne3A_406 = arith.constant 0 : i32
        %ne3A_407 = arith.cmpi ne, %rem3A, %ne3A_406 : i32
        %and3A = arith.andi %ne3A, %ne3A_407 : i1
        %sub3A = arith.constant 1 : i32
        %sub3A_408 = arith.subi %div3A, %sub3A : i32
        %select_n3A = arith.select %and3A, %sub3A_408, %div3A : i32
        %mul3A_409 = arith.constant 8 : i32
        %mul3A_410 = arith.muli %select_n3A, %mul3A_409 : i32
        %sub3A_411 = arith.subi %add3A_392, %mul3A_410 : i32
        %mul3A_412 = arith.constant 3 : i32
        %mul3A_413 = arith.muli %mul3A_412, %select_n3A : i32
        %mul3A_414 = arith.constant 64 : i32
        %mul3A_415 = arith.muli %sub3A_411, %mul3A_414 : i32
        %dma_start3A_416 = tpu.memref_slice %arg8[%mul3A_413, %mul3A_415] : memref<6x512xi32, #tpu.memory_space<vmem>> -> memref<1x64xi32, #tpu.memory_space<vmem>>
        %dma_start3A_417 = tpu.memref_squeeze %dma_start3A_416 : memref<1x64xi32, #tpu.memory_space<vmem>> -> memref<64xi32, #tpu.memory_space<vmem>>
        %dma_start3A_418 = arith.constant 0 : i32
        %dma_start3A_419 = arith.constant 0 : i32
        %dma_start3A_420 = tpu.memref_slice %arg4[%dma_start3A_418, %dma_start3A_419] : memref<1000000x128xf32, #tpu.memory_space<hbm>> -> memref<1000000x128xf32, #tpu.memory_space<hbm>>
        tpu.enqueue_indirect_dma source(%dma_start3A_420 : memref<1000000x128xf32, #tpu.memory_space<hbm>>) target(%arg9 : memref<64x128xf32, #tpu.memory_space<vmem>>) offsets(%dma_start3A_417 : memref<64xi32, #tpu.memory_space<vmem>>) semaphore(%arg22 : memref<!tpu.dma_semaphore, #tpu.memory_space<semaphore_mem>>)
        %add3A_421 = arith.constant 1 : i32
        %add3A_422 = arith.addi %mul3A_413, %add3A_421 : i32
        %dma_start3A_423 = tpu.memref_slice %arg8[%add3A_422, %mul3A_415] : memref<6x512xi32, #tpu.memory_space<vmem>> -> memref<1x64xi32, #tpu.memory_space<vmem>>
        %dma_start3A_424 = tpu.memref_squeeze %dma_start3A_423 : memref<1x64xi32, #tpu.memory_space<vmem>> -> memref<64xi32, #tpu.memory_space<vmem>>
        %dma_start3A_425 = arith.constant 0 : i32
        %dma_start3A_426 = arith.constant 0 : i32
        %dma_start3A_427 = tpu.memref_slice %arg5[%dma_start3A_425, %dma_start3A_426] : memref<100000x128xf32, #tpu.memory_space<hbm>> -> memref<100000x128xf32, #tpu.memory_space<hbm>>
        tpu.enqueue_indirect_dma source(%dma_start3A_427 : memref<100000x128xf32, #tpu.memory_space<hbm>>) target(%arg10 : memref<64x128xf32, #tpu.memory_space<vmem>>) offsets(%dma_start3A_424 : memref<64xi32, #tpu.memory_space<vmem>>) semaphore(%arg22 : memref<!tpu.dma_semaphore, #tpu.memory_space<semaphore_mem>>)
        %add3A_428 = arith.constant 2 : i32
        %add3A_429 = arith.addi %mul3A_413, %add3A_428 : i32
        %dma_start3A_430 = tpu.memref_slice %arg8[%add3A_429, %mul3A_415] : memref<6x512xi32, #tpu.memory_space<vmem>> -> memref<1x64xi32, #tpu.memory_space<vmem>>
        %dma_start3A_431 = tpu.memref_squeeze %dma_start3A_430 : memref<1x64xi32, #tpu.memory_space<vmem>> -> memref<64xi32, #tpu.memory_space<vmem>>
        %dma_start3A_432 = arith.constant 0 : i32
        %dma_start3A_433 = arith.constant 0 : i32
        %dma_start3A_434 = tpu.memref_slice %arg4[%dma_start3A_432, %dma_start3A_433] : memref<1000000x128xf32, #tpu.memory_space<hbm>> -> memref<1000000x128xf32, #tpu.memory_space<hbm>>
        tpu.enqueue_indirect_dma source(%dma_start3A_434 : memref<1000000x128xf32, #tpu.memory_space<hbm>>) target(%arg11 : memref<64x128xf32, #tpu.memory_space<vmem>>) offsets(%dma_start3A_431 : memref<64xi32, #tpu.memory_space<vmem>>) semaphore(%arg22 : memref<!tpu.dma_semaphore, #tpu.memory_space<semaphore_mem>>)
      } else {
      }
      %eq3A = arith.constant 7 : i32
      %eq3A_254 = arith.cmpi eq, %add3A_222, %eq3A : i32
      %convert_element_type3A_255 = arith.extui %eq3A_254 : i1 to i32
      %cond3A_256 = arith.constant 0 : i32
      %cond3A_257 = arith.cmpi ne, %convert_element_type3A_255, %cond3A_256 : i32
      scf.if %cond3A_257 {
        %dma_start3A_391 = arith.constant 0 : i32
        %dma_start3A_392 = tpu.memref_slice %arg21[%dma_start3A_391] : memref<1024xf32, #tpu.memory_space<vmem>> -> memref<512xf32, #tpu.memory_space<vmem>>
        %dma_start3A_393 = tpu.memref_slice %arg6[%mul3A_2] : memref<16384xf32, #tpu.memory_space<hbm>> -> memref<512xf32, #tpu.memory_space<hbm>>
        %dma_start3A_394 = tpu.memref_slice %arg6[%mul3A_2] : memref<16384xf32, #tpu.memory_space<hbm>> -> memref<512xf32, #tpu.memory_space<hbm>>
        %dma_start3A_395 = arith.constant 0 : i32
        %dma_start3A_396 = tpu.memref_slice %arg21[%dma_start3A_395] : memref<1024xf32, #tpu.memory_space<vmem>> -> memref<512xf32, #tpu.memory_space<vmem>>
        tpu.enqueue_dma source(%dma_start3A_396 : memref<512xf32, #tpu.memory_space<vmem>>) target(%dma_start3A_394 : memref<512xf32, #tpu.memory_space<hbm>>) target_semaphore(%arg26 : memref<!tpu.dma_semaphore, #tpu.memory_space<semaphore_mem>>)
      } else {
      }
      %mul3A_258 = arith.constant 4 : i32
      %mul3A_259 = arith.muli %mul3A_258, %scan3A_217 : i32
      %add3A_260 = arith.constant 1 : i32
      %add3A_261 = arith.addi %mul3A_259, %add3A_260 : i32
      %dma_wait3A_262 = arith.constant 0 : i32
      %dma_wait3A_263 = arith.constant 0 : i32
      %dma_wait3A_264 = tpu.memref_slice %arg4[%dma_wait3A_262, %dma_wait3A_263] : memref<1000000x128xf32, #tpu.memory_space<hbm>> -> memref<64x128xf32, #tpu.memory_space<hbm>>
      %dma_wait3A_265 = arith.constant 0 : i32
      %dma_wait3A_266 = arith.constant 0 : i32
      %dma_wait3A_267 = tpu.memref_slice %arg4[%dma_wait3A_265, %dma_wait3A_266] : memref<1000000x128xf32, #tpu.memory_space<hbm>> -> memref<64x128xf32, #tpu.memory_space<hbm>>
      tpu.wait_dma2 semaphore(%arg23 : memref<!tpu.dma_semaphore, #tpu.memory_space<semaphore_mem>>) src(%dma_wait3A_267 : memref<64x128xf32, #tpu.memory_space<hbm>>) dst(%arg12 : memref<64x128xf32, #tpu.memory_space<vmem>>)
      %dma_wait3A_268 = arith.constant 0 : i32
      %dma_wait3A_269 = arith.constant 0 : i32
      %dma_wait3A_270 = tpu.memref_slice %arg4[%dma_wait3A_268, %dma_wait3A_269] : memref<1000000x128xf32, #tpu.memory_space<hbm>> -> memref<64x128xf32, #tpu.memory_space<hbm>>
      %dma_wait3A_271 = arith.constant 0 : i32
      %dma_wait3A_272 = arith.constant 0 : i32
      %dma_wait3A_273 = tpu.memref_slice %arg4[%dma_wait3A_271, %dma_wait3A_272] : memref<1000000x128xf32, #tpu.memory_space<hbm>> -> memref<64x128xf32, #tpu.memory_space<hbm>>
      tpu.wait_dma2 semaphore(%arg23 : memref<!tpu.dma_semaphore, #tpu.memory_space<semaphore_mem>>) src(%dma_wait3A_273 : memref<64x128xf32, #tpu.memory_space<hbm>>) dst(%arg13 : memref<64x128xf32, #tpu.memory_space<vmem>>)
      %dma_wait3A_274 = arith.constant 0 : i32
      %dma_wait3A_275 = arith.constant 0 : i32
      %dma_wait3A_276 = tpu.memref_slice %arg4[%dma_wait3A_274, %dma_wait3A_275] : memref<1000000x128xf32, #tpu.memory_space<hbm>> -> memref<64x128xf32, #tpu.memory_space<hbm>>
      %dma_wait3A_277 = arith.constant 0 : i32
      %dma_wait3A_278 = arith.constant 0 : i32
      %dma_wait3A_279 = tpu.memref_slice %arg4[%dma_wait3A_277, %dma_wait3A_278] : memref<1000000x128xf32, #tpu.memory_space<hbm>> -> memref<64x128xf32, #tpu.memory_space<hbm>>
      tpu.wait_dma2 semaphore(%arg23 : memref<!tpu.dma_semaphore, #tpu.memory_space<semaphore_mem>>) src(%dma_wait3A_279 : memref<64x128xf32, #tpu.memory_space<hbm>>) dst(%arg14 : memref<64x128xf32, #tpu.memory_space<vmem>>)
      %mul3A_280 = arith.constant 64 : i32
      %mul3A_281 = arith.muli %add3A_261, %mul3A_280 : i32
      %iota3A_282 = tpu.iota {dimensions = array<i32: 0>} : vector<16xi32>
      %scan3A_283 = arith.constant 0 : i32
      %scan3A_284 = arith.constant 0 : i32
      %scan3A_285 = arith.constant 4 : i32
      %scan3A_286 = arith.addi %scan3A_284, %scan3A_285 : i32
      %scan3A_287 = arith.constant 1 : i32
      %scan3A_288 = scf.for %scan3A_391 = %scan3A_284 to %scan3A_286 step %scan3A_287 iter_args(%scan3A_392 = %scan3A_283) -> (i32)  : i32 {
        %broadcast_in_dim3A = arith.constant 0.000000e+00 : f32
        %broadcast_in_dim3A_393 = vector.broadcast %broadcast_in_dim3A : f32 to vector<16xf32>
        %scan3A_394 = arith.constant 0 : i32
        %scan3A_395 = arith.constant 16 : i32
        %scan3A_396 = arith.addi %scan3A_394, %scan3A_395 : i32
        %scan3A_397 = arith.constant 1 : i32
        %scan3A_398 = scf.for %scan3A_441 = %scan3A_394 to %scan3A_396 step %scan3A_397 iter_args(%scan3A_442 = %broadcast_in_dim3A_393) -> (vector<16xf32>)  : i32 {
          %mul3A_443 = arith.constant 16 : i32
          %mul3A_444 = arith.muli %scan3A_391, %mul3A_443 : i32
          %add3A_445 = arith.addi %mul3A_444, %scan3A_441 : i32
          %get3A = arith.index_cast %add3A_445 : i32 to index
          %get3A_446 = arith.constant 0 : index
          %get3A_447 = tpu.vector_load %arg12[%get3A, %get3A_446] {strides = array<i32>} : memref<64x128xf32, #tpu.memory_space<vmem>>, vector<16xf32>,
          %get3A_448 = arith.index_cast %add3A_445 : i32 to index
          %get3A_449 = arith.constant 0 : index
          %get3A_450 = tpu.vector_load %arg13[%get3A_448, %get3A_449] {strides = array<i32>} : memref<64x128xf32, #tpu.memory_space<vmem>>, vector<16xf32>,
          %add3A_451 = arith.addf %get3A_447, %get3A_450 : vector<16xf32>
          %get3A_452 = arith.index_cast %add3A_445 : i32 to index
          %get3A_453 = arith.constant 0 : index
          %get3A_454 = tpu.vector_load %arg14[%get3A_452, %get3A_453] {strides = array<i32>} : memref<64x128xf32, #tpu.memory_space<vmem>>, vector<16xf32>,
          %sub3A_455 = arith.subf %add3A_451, %get3A_454 : vector<16xf32>
          %mul3A_456 = arith.mulf %sub3A_455, %sub3A_455 : vector<16xf32>
          %get3A_457 = arith.index_cast %add3A_445 : i32 to index
          %get3A_458 = arith.constant 16 : index
          %get3A_459 = tpu.vector_load %arg12[%get3A_457, %get3A_458] {strides = array<i32>} : memref<64x128xf32, #tpu.memory_space<vmem>>, vector<16xf32>,
          %get3A_460 = arith.index_cast %add3A_445 : i32 to index
          %get3A_461 = arith.constant 16 : index
          %get3A_462 = tpu.vector_load %arg13[%get3A_460, %get3A_461] {strides = array<i32>} : memref<64x128xf32, #tpu.memory_space<vmem>>, vector<16xf32>,
          %add3A_463 = arith.addf %get3A_459, %get3A_462 : vector<16xf32>
          %get3A_464 = arith.index_cast %add3A_445 : i32 to index
          %get3A_465 = arith.constant 16 : index
          %get3A_466 = tpu.vector_load %arg14[%get3A_464, %get3A_465] {strides = array<i32>} : memref<64x128xf32, #tpu.memory_space<vmem>>, vector<16xf32>,
          %sub3A_467 = arith.subf %add3A_463, %get3A_466 : vector<16xf32>
          %mul3A_468 = arith.mulf %sub3A_467, %sub3A_467 : vector<16xf32>
          %get3A_469 = arith.index_cast %add3A_445 : i32 to index
          %get3A_470 = arith.constant 32 : index
          %get3A_471 = tpu.vector_load %arg12[%get3A_469, %get3A_470] {strides = array<i32>} : memref<64x128xf32, #tpu.memory_space<vmem>>, vector<16xf32>,
          %get3A_472 = arith.index_cast %add3A_445 : i32 to index
          %get3A_473 = arith.constant 32 : index
          %get3A_474 = tpu.vector_load %arg13[%get3A_472, %get3A_473] {strides = array<i32>} : memref<64x128xf32, #tpu.memory_space<vmem>>, vector<16xf32>,
          %add3A_475 = arith.addf %get3A_471, %get3A_474 : vector<16xf32>
          %get3A_476 = arith.index_cast %add3A_445 : i32 to index
          %get3A_477 = arith.constant 32 : index
          %get3A_478 = tpu.vector_load %arg14[%get3A_476, %get3A_477] {strides = array<i32>} : memref<64x128xf32, #tpu.memory_space<vmem>>, vector<16xf32>,
          %sub3A_479 = arith.subf %add3A_475, %get3A_478 : vector<16xf32>
          %mul3A_480 = arith.mulf %sub3A_479, %sub3A_479 : vector<16xf32>
          %get3A_481 = arith.index_cast %add3A_445 : i32 to index
          %get3A_482 = arith.constant 48 : index
          %get3A_483 = tpu.vector_load %arg12[%get3A_481, %get3A_482] {strides = array<i32>} : memref<64x128xf32, #tpu.memory_space<vmem>>, vector<16xf32>,
          %get3A_484 = arith.index_cast %add3A_445 : i32 to index
          %get3A_485 = arith.constant 48 : index
          %get3A_486 = tpu.vector_load %arg13[%get3A_484, %get3A_485] {strides = array<i32>} : memref<64x128xf32, #tpu.memory_space<vmem>>, vector<16xf32>,
          %add3A_487 = arith.addf %get3A_483, %get3A_486 : vector<16xf32>
          %get3A_488 = arith.index_cast %add3A_445 : i32 to index
          %get3A_489 = arith.constant 48 : index
          %get3A_490 = tpu.vector_load %arg14[%get3A_488, %get3A_489] {strides = array<i32>} : memref<64x128xf32, #tpu.memory_space<vmem>>, vector<16xf32>,
          %sub3A_491 = arith.subf %add3A_487, %get3A_490 : vector<16xf32>
          %mul3A_492 = arith.mulf %sub3A_491, %sub3A_491 : vector<16xf32>
          %get3A_493 = arith.index_cast %add3A_445 : i32 to index
          %get3A_494 = arith.constant 64 : index
          %get3A_495 = tpu.vector_load %arg12[%get3A_493, %get3A_494] {strides = array<i32>} : memref<64x128xf32, #tpu.memory_space<vmem>>, vector<16xf32>,
          %get3A_496 = arith.index_cast %add3A_445 : i32 to index
          %get3A_497 = arith.constant 64 : index
          %get3A_498 = tpu.vector_load %arg13[%get3A_496, %get3A_497] {strides = array<i32>} : memref<64x128xf32, #tpu.memory_space<vmem>>, vector<16xf32>,
          %add3A_499 = arith.addf %get3A_495, %get3A_498 : vector<16xf32>
          %get3A_500 = arith.index_cast %add3A_445 : i32 to index
          %get3A_501 = arith.constant 64 : index
          %get3A_502 = tpu.vector_load %arg14[%get3A_500, %get3A_501] {strides = array<i32>} : memref<64x128xf32, #tpu.memory_space<vmem>>, vector<16xf32>,
          %sub3A_503 = arith.subf %add3A_499, %get3A_502 : vector<16xf32>
          %mul3A_504 = arith.mulf %sub3A_503, %sub3A_503 : vector<16xf32>
          %get3A_505 = arith.index_cast %add3A_445 : i32 to index
          %get3A_506 = arith.constant 80 : index
          %get3A_507 = tpu.vector_load %arg12[%get3A_505, %get3A_506] {strides = array<i32>} : memref<64x128xf32, #tpu.memory_space<vmem>>, vector<16xf32>,
          %get3A_508 = arith.index_cast %add3A_445 : i32 to index
          %get3A_509 = arith.constant 80 : index
          %get3A_510 = tpu.vector_load %arg13[%get3A_508, %get3A_509] {strides = array<i32>} : memref<64x128xf32, #tpu.memory_space<vmem>>, vector<16xf32>,
          %add3A_511 = arith.addf %get3A_507, %get3A_510 : vector<16xf32>
          %get3A_512 = arith.index_cast %add3A_445 : i32 to index
          %get3A_513 = arith.constant 80 : index
          %get3A_514 = tpu.vector_load %arg14[%get3A_512, %get3A_513] {strides = array<i32>} : memref<64x128xf32, #tpu.memory_space<vmem>>, vector<16xf32>,
          %sub3A_515 = arith.subf %add3A_511, %get3A_514 : vector<16xf32>
          %mul3A_516 = arith.mulf %sub3A_515, %sub3A_515 : vector<16xf32>
          %get3A_517 = arith.index_cast %add3A_445 : i32 to index
          %get3A_518 = arith.constant 96 : index
          %get3A_519 = tpu.vector_load %arg12[%get3A_517, %get3A_518] {strides = array<i32>} : memref<64x128xf32, #tpu.memory_space<vmem>>, vector<16xf32>,
          %get3A_520 = arith.index_cast %add3A_445 : i32 to index
          %get3A_521 = arith.constant 96 : index
          %get3A_522 = tpu.vector_load %arg13[%get3A_520, %get3A_521] {strides = array<i32>} : memref<64x128xf32, #tpu.memory_space<vmem>>, vector<16xf32>,
          %add3A_523 = arith.addf %get3A_519, %get3A_522 : vector<16xf32>
          %get3A_524 = arith.index_cast %add3A_445 : i32 to index
          %get3A_525 = arith.constant 96 : index
          %get3A_526 = tpu.vector_load %arg14[%get3A_524, %get3A_525] {strides = array<i32>} : memref<64x128xf32, #tpu.memory_space<vmem>>, vector<16xf32>,
          %sub3A_527 = arith.subf %add3A_523, %get3A_526 : vector<16xf32>
          %mul3A_528 = arith.mulf %sub3A_527, %sub3A_527 : vector<16xf32>
          %get3A_529 = arith.index_cast %add3A_445 : i32 to index
          %get3A_530 = arith.constant 112 : index
          %get3A_531 = tpu.vector_load %arg12[%get3A_529, %get3A_530] {strides = array<i32>} : memref<64x128xf32, #tpu.memory_space<vmem>>, vector<16xf32>,
          %get3A_532 = arith.index_cast %add3A_445 : i32 to index
          %get3A_533 = arith.constant 112 : index
          %get3A_534 = tpu.vector_load %arg13[%get3A_532, %get3A_533] {strides = array<i32>} : memref<64x128xf32, #tpu.memory_space<vmem>>, vector<16xf32>,
          %add3A_535 = arith.addf %get3A_531, %get3A_534 : vector<16xf32>
          %get3A_536 = arith.index_cast %add3A_445 : i32 to index
          %get3A_537 = arith.constant 112 : index
          %get3A_538 = tpu.vector_load %arg14[%get3A_536, %get3A_537] {strides = array<i32>} : memref<64x128xf32, #tpu.memory_space<vmem>>, vector<16xf32>,
          %sub3A_539 = arith.subf %add3A_535, %get3A_538 : vector<16xf32>
          %mul3A_540 = arith.mulf %sub3A_539, %sub3A_539 : vector<16xf32>
          %add3A_541 = arith.addf %mul3A_456, %mul3A_468 : vector<16xf32>
          %add3A_542 = arith.addf %mul3A_480, %mul3A_492 : vector<16xf32>
          %add3A_543 = arith.addf %add3A_541, %add3A_542 : vector<16xf32>
          %add3A_544 = arith.addf %mul3A_504, %mul3A_516 : vector<16xf32>
          %add3A_545 = arith.addf %mul3A_528, %mul3A_540 : vector<16xf32>
          %add3A_546 = arith.addf %add3A_544, %add3A_545 : vector<16xf32>
          %add3A_547 = arith.addf %add3A_543, %add3A_546 : vector<16xf32>
          %reduce_sum3A = arith.constant true
          %reduce_sum3A_548 = vector.broadcast %reduce_sum3A : i1 to vector<16xi1>
          %reduce_sum3A_549 = tpu.scan <sum>, %add3A_547 masked %reduce_sum3A_548 : vector<16xf32>, vector<16xi1> -> vector<16xf32>
          %reduce_sum3A_550 = vector.extract %reduce_sum3A_549[15] : f32 from vector<16xf32>
          %eq3A_551 = vector.broadcast %scan3A_441 : i32 to vector<16xi32>
          %eq3A_552 = arith.cmpi eq, %iota3A_282, %eq3A_551 : vector<16xi32>
          %broadcast_in_dim3A_553 = vector.broadcast %reduce_sum3A_550 : f32 to vector<16xf32>
          %select_n3A = arith.select %eq3A_552, %broadcast_in_dim3A_553, %scan3A_442 : vector<16xi1>, vector<16xf32>
          scf.yield %select_n3A : vector<16xf32>
        }
        %scan3A_399 = arith.constant 16 : i32
        %add3A_400 = arith.constant 1.000000e-24 : f32
        %add3A_401 = vector.broadcast %add3A_400 : f32 to vector<16xf32>
        %add3A_402 = arith.addf %scan3A_398, %add3A_401 : vector<16xf32>
        %bitcast_convert_type3A = tpu.bitcast %add3A_402 : vector<16xf32> -> vector<16xi32>
        %shift_right_arithmetic3A = arith.constant 1 : i32
        %shift_right_arithmetic3A_403 = vector.broadcast %shift_right_arithmetic3A : i32 to vector<16xi32>
        %shift_right_arithmetic3A_404 = arith.shrsi %bitcast_convert_type3A, %shift_right_arithmetic3A_403 : vector<16xi32>
        %sub3A = arith.constant 1597463007 : i32
        %sub3A_405 = vector.broadcast %sub3A : i32 to vector<16xi32>
        %sub3A_406 = arith.subi %sub3A_405, %shift_right_arithmetic3A_404 : vector<16xi32>
        %bitcast_convert_type3A_407 = tpu.bitcast %sub3A_406 : vector<16xi32> -> vector<16xf32>
        %mul3A_408 = arith.constant 5.000000e-01 : f32
        %mul3A_409 = vector.broadcast %mul3A_408 : f32 to vector<16xf32>
        %mul3A_410 = arith.mulf %mul3A_409, %add3A_402 : vector<16xf32>
        %mul3A_411 = arith.mulf %mul3A_410, %bitcast_convert_type3A_407 : vector<16xf32>
        %mul3A_412 = arith.mulf %mul3A_411, %bitcast_convert_type3A_407 : vector<16xf32>
        %sub3A_413 = arith.constant 1.500000e+00 : f32
        %sub3A_414 = vector.broadcast %sub3A_413 : f32 to vector<16xf32>
        %sub3A_415 = arith.subf %sub3A_414, %mul3A_412 : vector<16xf32>
        %mul3A_416 = arith.mulf %bitcast_convert_type3A_407, %sub3A_415 : vector<16xf32>
        %mul3A_417 = arith.constant 5.000000e-01 : f32
        %mul3A_418 = vector.broadcast %mul3A_417 : f32 to vector<16xf32>
        %mul3A_419 = arith.mulf %mul3A_418, %add3A_402 : vector<16xf32>
        %mul3A_420 = arith.mulf %mul3A_419, %mul3A_416 : vector<16xf32>
        %mul3A_421 = arith.mulf %mul3A_420, %mul3A_416 : vector<16xf32>
        %sub3A_422 = arith.constant 1.500000e+00 : f32
        %sub3A_423 = vector.broadcast %sub3A_422 : f32 to vector<16xf32>
        %sub3A_424 = arith.subf %sub3A_423, %mul3A_421 : vector<16xf32>
        %mul3A_425 = arith.mulf %mul3A_416, %sub3A_424 : vector<16xf32>
        %mul3A_426 = arith.constant 5.000000e-01 : f32
        %mul3A_427 = vector.broadcast %mul3A_426 : f32 to vector<16xf32>
        %mul3A_428 = arith.mulf %mul3A_427, %add3A_402 : vector<16xf32>
        %mul3A_429 = arith.mulf %mul3A_428, %mul3A_425 : vector<16xf32>
        %mul3A_430 = arith.mulf %mul3A_429, %mul3A_425 : vector<16xf32>
        %sub3A_431 = arith.constant 1.500000e+00 : f32
        %sub3A_432 = vector.broadcast %sub3A_431 : f32 to vector<16xf32>
        %sub3A_433 = arith.subf %sub3A_432, %mul3A_430 : vector<16xf32>
        %mul3A_434 = arith.mulf %mul3A_425, %sub3A_433 : vector<16xf32>
        %mul3A_435 = arith.mulf %add3A_402, %mul3A_434 : vector<16xf32>
        %mul3A_436 = arith.constant 16 : i32
        %mul3A_437 = arith.muli %scan3A_391, %mul3A_436 : i32
        %add3A_438 = arith.addi %mul3A_281, %mul3A_437 : i32
        %swap3A = arith.index_cast %add3A_438 : i32 to index
        %swap3A_439 = tpu.vector_load %arg21[%swap3A] {strides = array<i32>} : memref<1024xf32, #tpu.memory_space<vmem>>, vector<16xf32>,
        tpu.vector_store %arg21[%swap3A], %mul3A_435 {strides = array<i32>} : memref<1024xf32, #tpu.memory_space<vmem>>, vector<16xf32>,
        %scan3A_440 = arith.constant 0 : i32
        scf.yield %scan3A_440 : i32
      }
      %scan3A_289 = arith.constant 4 : i32
      %add3A_290 = arith.constant 4 : i32
      %add3A_291 = arith.addi %add3A_261, %add3A_290 : i32
      %lt3A_292 = arith.constant 16 : i32
      %lt3A_293 = arith.cmpi slt, %add3A_291, %lt3A_292 : i32
      %convert_element_type3A_294 = arith.extui %lt3A_293 : i1 to i32
      %cond3A_295 = arith.constant 0 : i32
      %cond3A_296 = arith.cmpi ne, %convert_element_type3A_294, %cond3A_295 : i32
      scf.if %cond3A_296 {
        %add3A_391 = arith.constant 4 : i32
        %add3A_392 = arith.addi %add3A_261, %add3A_391 : i32
        %jit3A = arith.constant 8 : i32
        %div3A = arith.divsi %add3A_392, %jit3A : i32
        %sign3A = arith.constant 0 : i32
        %sign3A_393 = arith.cmpi sgt, %add3A_392, %sign3A : i32
        %sign3A_394 = arith.extui %sign3A_393 : i1 to i32
        %sign3A_395 = arith.constant 0 : i32
        %sign3A_396 = arith.cmpi slt, %add3A_392, %sign3A_395 : i32
        %sign3A_397 = arith.extui %sign3A_396 : i1 to i32
        %sign3A_398 = arith.subi %sign3A_394, %sign3A_397 : i32
        %sign3A_399 = arith.constant 0 : i32
        %sign3A_400 = arith.cmpi sgt, %jit3A, %sign3A_399 : i32
        %sign3A_401 = arith.extui %sign3A_400 : i1 to i32
        %sign3A_402 = arith.constant 0 : i32
        %sign3A_403 = arith.cmpi slt, %jit3A, %sign3A_402 : i32
        %sign3A_404 = arith.extui %sign3A_403 : i1 to i32
        %sign3A_405 = arith.subi %sign3A_401, %sign3A_404 : i32
        %ne3A = arith.cmpi ne, %sign3A_398, %sign3A_405 : i32
        %rem3A = arith.remsi %add3A_392, %jit3A : i32
        %ne3A_406 = arith.constant 0 : i32
        %ne3A_407 = arith.cmpi ne, %rem3A, %ne3A_406 : i32
        %and3A = arith.andi %ne3A, %ne3A_407 : i1
        %sub3A = arith.constant 1 : i32
        %sub3A_408 = arith.subi %div3A, %sub3A : i32
        %select_n3A = arith.select %and3A, %sub3A_408, %div3A : i32
        %mul3A_409 = arith.constant 8 : i32
        %mul3A_410 = arith.muli %select_n3A, %mul3A_409 : i32
        %sub3A_411 = arith.subi %add3A_392, %mul3A_410 : i32
        %mul3A_412 = arith.constant 3 : i32
        %mul3A_413 = arith.muli %mul3A_412, %select_n3A : i32
        %mul3A_414 = arith.constant 64 : i32
        %mul3A_415 = arith.muli %sub3A_411, %mul3A_414 : i32
        %dma_start3A_416 = tpu.memref_slice %arg8[%mul3A_413, %mul3A_415] : memref<6x512xi32, #tpu.memory_space<vmem>> -> memref<1x64xi32, #tpu.memory_space<vmem>>
        %dma_start3A_417 = tpu.memref_squeeze %dma_start3A_416 : memref<1x64xi32, #tpu.memory_space<vmem>> -> memref<64xi32, #tpu.memory_space<vmem>>
        %dma_start3A_418 = arith.constant 0 : i32
        %dma_start3A_419 = arith.constant 0 : i32
        %dma_start3A_420 = tpu.memref_slice %arg4[%dma_start3A_418, %dma_start3A_419] : memref<1000000x128xf32, #tpu.memory_space<hbm>> -> memref<1000000x128xf32, #tpu.memory_space<hbm>>
        tpu.enqueue_indirect_dma source(%dma_start3A_420 : memref<1000000x128xf32, #tpu.memory_space<hbm>>) target(%arg12 : memref<64x128xf32, #tpu.memory_space<vmem>>) offsets(%dma_start3A_417 : memref<64xi32, #tpu.memory_space<vmem>>) semaphore(%arg23 : memref<!tpu.dma_semaphore, #tpu.memory_space<semaphore_mem>>)
        %add3A_421 = arith.constant 1 : i32
        %add3A_422 = arith.addi %mul3A_413, %add3A_421 : i32
        %dma_start3A_423 = tpu.memref_slice %arg8[%add3A_422, %mul3A_415] : memref<6x512xi32, #tpu.memory_space<vmem>> -> memref<1x64xi32, #tpu.memory_space<vmem>>
        %dma_start3A_424 = tpu.memref_squeeze %dma_start3A_423 : memref<1x64xi32, #tpu.memory_space<vmem>> -> memref<64xi32, #tpu.memory_space<vmem>>
        %dma_start3A_425 = arith.constant 0 : i32
        %dma_start3A_426 = arith.constant 0 : i32
        %dma_start3A_427 = tpu.memref_slice %arg5[%dma_start3A_425, %dma_start3A_426] : memref<100000x128xf32, #tpu.memory_space<hbm>> -> memref<100000x128xf32, #tpu.memory_space<hbm>>
        tpu.enqueue_indirect_dma source(%dma_start3A_427 : memref<100000x128xf32, #tpu.memory_space<hbm>>) target(%arg13 : memref<64x128xf32, #tpu.memory_space<vmem>>) offsets(%dma_start3A_424 : memref<64xi32, #tpu.memory_space<vmem>>) semaphore(%arg23 : memref<!tpu.dma_semaphore, #tpu.memory_space<semaphore_mem>>)
        %add3A_428 = arith.constant 2 : i32
        %add3A_429 = arith.addi %mul3A_413, %add3A_428 : i32
        %dma_start3A_430 = tpu.memref_slice %arg8[%add3A_429, %mul3A_415] : memref<6x512xi32, #tpu.memory_space<vmem>> -> memref<1x64xi32, #tpu.memory_space<vmem>>
        %dma_start3A_431 = tpu.memref_squeeze %dma_start3A_430 : memref<1x64xi32, #tpu.memory_space<vmem>> -> memref<64xi32, #tpu.memory_space<vmem>>
        %dma_start3A_432 = arith.constant 0 : i32
        %dma_start3A_433 = arith.constant 0 : i32
        %dma_start3A_434 = tpu.memref_slice %arg4[%dma_start3A_432, %dma_start3A_433] : memref<1000000x128xf32, #tpu.memory_space<hbm>> -> memref<1000000x128xf32, #tpu.memory_space<hbm>>
        tpu.enqueue_indirect_dma source(%dma_start3A_434 : memref<1000000x128xf32, #tpu.memory_space<hbm>>) target(%arg14 : memref<64x128xf32, #tpu.memory_space<vmem>>) offsets(%dma_start3A_431 : memref<64xi32, #tpu.memory_space<vmem>>) semaphore(%arg23 : memref<!tpu.dma_semaphore, #tpu.memory_space<semaphore_mem>>)
      } else {
      }
      %eq3A_297 = arith.constant 7 : i32
      %eq3A_298 = arith.cmpi eq, %add3A_261, %eq3A_297 : i32
      %convert_element_type3A_299 = arith.extui %eq3A_298 : i1 to i32
      %cond3A_300 = arith.constant 0 : i32
      %cond3A_301 = arith.cmpi ne, %convert_element_type3A_299, %cond3A_300 : i32
      scf.if %cond3A_301 {
        %dma_start3A_391 = arith.constant 0 : i32
        %dma_start3A_392 = tpu.memref_slice %arg21[%dma_start3A_391] : memref<1024xf32, #tpu.memory_space<vmem>> -> memref<512xf32, #tpu.memory_space<vmem>>
        %dma_start3A_393 = tpu.memref_slice %arg6[%mul3A_2] : memref<16384xf32, #tpu.memory_space<hbm>> -> memref<512xf32, #tpu.memory_space<hbm>>
        %dma_start3A_394 = tpu.memref_slice %arg6[%mul3A_2] : memref<16384xf32, #tpu.memory_space<hbm>> -> memref<512xf32, #tpu.memory_space<hbm>>
        %dma_start3A_395 = arith.constant 0 : i32
        %dma_start3A_396 = tpu.memref_slice %arg21[%dma_start3A_395] : memref<1024xf32, #tpu.memory_space<vmem>> -> memref<512xf32, #tpu.memory_space<vmem>>
        tpu.enqueue_dma source(%dma_start3A_396 : memref<512xf32, #tpu.memory_space<vmem>>) target(%dma_start3A_394 : memref<512xf32, #tpu.memory_space<hbm>>) target_semaphore(%arg26 : memref<!tpu.dma_semaphore, #tpu.memory_space<semaphore_mem>>)
      } else {
      }
      %mul3A_302 = arith.constant 4 : i32
      %mul3A_303 = arith.muli %mul3A_302, %scan3A_217 : i32
      %add3A_304 = arith.constant 2 : i32
      %add3A_305 = arith.addi %mul3A_303, %add3A_304 : i32
      %dma_wait3A_306 = arith.constant 0 : i32
      %dma_wait3A_307 = arith.constant 0 : i32
      %dma_wait3A_308 = tpu.memref_slice %arg4[%dma_wait3A_306, %dma_wait3A_307] : memref<1000000x128xf32, #tpu.memory_space<hbm>> -> memref<64x128xf32, #tpu.memory_space<hbm>>
      %dma_wait3A_309 = arith.constant 0 : i32
      %dma_wait3A_310 = arith.constant 0 : i32
      %dma_wait3A_311 = tpu.memref_slice %arg4[%dma_wait3A_309, %dma_wait3A_310] : memref<1000000x128xf32, #tpu.memory_space<hbm>> -> memref<64x128xf32, #tpu.memory_space<hbm>>
      tpu.wait_dma2 semaphore(%arg24 : memref<!tpu.dma_semaphore, #tpu.memory_space<semaphore_mem>>) src(%dma_wait3A_311 : memref<64x128xf32, #tpu.memory_space<hbm>>) dst(%arg15 : memref<64x128xf32, #tpu.memory_space<vmem>>)
      %dma_wait3A_312 = arith.constant 0 : i32
      %dma_wait3A_313 = arith.constant 0 : i32
      %dma_wait3A_314 = tpu.memref_slice %arg4[%dma_wait3A_312, %dma_wait3A_313] : memref<1000000x128xf32, #tpu.memory_space<hbm>> -> memref<64x128xf32, #tpu.memory_space<hbm>>
      %dma_wait3A_315 = arith.constant 0 : i32
      %dma_wait3A_316 = arith.constant 0 : i32
      %dma_wait3A_317 = tpu.memref_slice %arg4[%dma_wait3A_315, %dma_wait3A_316] : memref<1000000x128xf32, #tpu.memory_space<hbm>> -> memref<64x128xf32, #tpu.memory_space<hbm>>
      tpu.wait_dma2 semaphore(%arg24 : memref<!tpu.dma_semaphore, #tpu.memory_space<semaphore_mem>>) src(%dma_wait3A_317 : memref<64x128xf32, #tpu.memory_space<hbm>>) dst(%arg16 : memref<64x128xf32, #tpu.memory_space<vmem>>)
      %dma_wait3A_318 = arith.constant 0 : i32
      %dma_wait3A_319 = arith.constant 0 : i32
      %dma_wait3A_320 = tpu.memref_slice %arg4[%dma_wait3A_318, %dma_wait3A_319] : memref<1000000x128xf32, #tpu.memory_space<hbm>> -> memref<64x128xf32, #tpu.memory_space<hbm>>
      %dma_wait3A_321 = arith.constant 0 : i32
      %dma_wait3A_322 = arith.constant 0 : i32
      %dma_wait3A_323 = tpu.memref_slice %arg4[%dma_wait3A_321, %dma_wait3A_322] : memref<1000000x128xf32, #tpu.memory_space<hbm>> -> memref<64x128xf32, #tpu.memory_space<hbm>>
      tpu.wait_dma2 semaphore(%arg24 : memref<!tpu.dma_semaphore, #tpu.memory_space<semaphore_mem>>) src(%dma_wait3A_323 : memref<64x128xf32, #tpu.memory_space<hbm>>) dst(%arg17 : memref<64x128xf32, #tpu.memory_space<vmem>>)
      %mul3A_324 = arith.constant 64 : i32
      %mul3A_325 = arith.muli %add3A_305, %mul3A_324 : i32
      %iota3A_326 = tpu.iota {dimensions = array<i32: 0>} : vector<16xi32>
      %scan3A_327 = arith.constant 0 : i32
      %scan3A_328 = arith.constant 0 : i32
      %scan3A_329 = arith.constant 4 : i32
      %scan3A_330 = arith.addi %scan3A_328, %scan3A_329 : i32
      %scan3A_331 = arith.constant 1 : i32
      %scan3A_332 = scf.for %scan3A_391 = %scan3A_328 to %scan3A_330 step %scan3A_331 iter_args(%scan3A_392 = %scan3A_327) -> (i32)  : i32 {
        %broadcast_in_dim3A = arith.constant 0.000000e+00 : f32
        %broadcast_in_dim3A_393 = vector.broadcast %broadcast_in_dim3A : f32 to vector<16xf32>
        %scan3A_394 = arith.constant 0 : i32
        %scan3A_395 = arith.constant 16 : i32
        %scan3A_396 = arith.addi %scan3A_394, %scan3A_395 : i32
        %scan3A_397 = arith.constant 1 : i32
        %scan3A_398 = scf.for %scan3A_441 = %scan3A_394 to %scan3A_396 step %scan3A_397 iter_args(%scan3A_442 = %broadcast_in_dim3A_393) -> (vector<16xf32>)  : i32 {
          %mul3A_443 = arith.constant 16 : i32
          %mul3A_444 = arith.muli %scan3A_391, %mul3A_443 : i32
          %add3A_445 = arith.addi %mul3A_444, %scan3A_441 : i32
          %get3A = arith.index_cast %add3A_445 : i32 to index
          %get3A_446 = arith.constant 0 : index
          %get3A_447 = tpu.vector_load %arg15[%get3A, %get3A_446] {strides = array<i32>} : memref<64x128xf32, #tpu.memory_space<vmem>>, vector<16xf32>,
          %get3A_448 = arith.index_cast %add3A_445 : i32 to index
          %get3A_449 = arith.constant 0 : index
          %get3A_450 = tpu.vector_load %arg16[%get3A_448, %get3A_449] {strides = array<i32>} : memref<64x128xf32, #tpu.memory_space<vmem>>, vector<16xf32>,
          %add3A_451 = arith.addf %get3A_447, %get3A_450 : vector<16xf32>
          %get3A_452 = arith.index_cast %add3A_445 : i32 to index
          %get3A_453 = arith.constant 0 : index
          %get3A_454 = tpu.vector_load %arg17[%get3A_452, %get3A_453] {strides = array<i32>} : memref<64x128xf32, #tpu.memory_space<vmem>>, vector<16xf32>,
          %sub3A_455 = arith.subf %add3A_451, %get3A_454 : vector<16xf32>
          %mul3A_456 = arith.mulf %sub3A_455, %sub3A_455 : vector<16xf32>
          %get3A_457 = arith.index_cast %add3A_445 : i32 to index
          %get3A_458 = arith.constant 16 : index
          %get3A_459 = tpu.vector_load %arg15[%get3A_457, %get3A_458] {strides = array<i32>} : memref<64x128xf32, #tpu.memory_space<vmem>>, vector<16xf32>,
          %get3A_460 = arith.index_cast %add3A_445 : i32 to index
          %get3A_461 = arith.constant 16 : index
          %get3A_462 = tpu.vector_load %arg16[%get3A_460, %get3A_461] {strides = array<i32>} : memref<64x128xf32, #tpu.memory_space<vmem>>, vector<16xf32>,
          %add3A_463 = arith.addf %get3A_459, %get3A_462 : vector<16xf32>
          %get3A_464 = arith.index_cast %add3A_445 : i32 to index
          %get3A_465 = arith.constant 16 : index
          %get3A_466 = tpu.vector_load %arg17[%get3A_464, %get3A_465] {strides = array<i32>} : memref<64x128xf32, #tpu.memory_space<vmem>>, vector<16xf32>,
          %sub3A_467 = arith.subf %add3A_463, %get3A_466 : vector<16xf32>
          %mul3A_468 = arith.mulf %sub3A_467, %sub3A_467 : vector<16xf32>
          %get3A_469 = arith.index_cast %add3A_445 : i32 to index
          %get3A_470 = arith.constant 32 : index
          %get3A_471 = tpu.vector_load %arg15[%get3A_469, %get3A_470] {strides = array<i32>} : memref<64x128xf32, #tpu.memory_space<vmem>>, vector<16xf32>,
          %get3A_472 = arith.index_cast %add3A_445 : i32 to index
          %get3A_473 = arith.constant 32 : index
          %get3A_474 = tpu.vector_load %arg16[%get3A_472, %get3A_473] {strides = array<i32>} : memref<64x128xf32, #tpu.memory_space<vmem>>, vector<16xf32>,
          %add3A_475 = arith.addf %get3A_471, %get3A_474 : vector<16xf32>
          %get3A_476 = arith.index_cast %add3A_445 : i32 to index
          %get3A_477 = arith.constant 32 : index
          %get3A_478 = tpu.vector_load %arg17[%get3A_476, %get3A_477] {strides = array<i32>} : memref<64x128xf32, #tpu.memory_space<vmem>>, vector<16xf32>,
          %sub3A_479 = arith.subf %add3A_475, %get3A_478 : vector<16xf32>
          %mul3A_480 = arith.mulf %sub3A_479, %sub3A_479 : vector<16xf32>
          %get3A_481 = arith.index_cast %add3A_445 : i32 to index
          %get3A_482 = arith.constant 48 : index
          %get3A_483 = tpu.vector_load %arg15[%get3A_481, %get3A_482] {strides = array<i32>} : memref<64x128xf32, #tpu.memory_space<vmem>>, vector<16xf32>,
          %get3A_484 = arith.index_cast %add3A_445 : i32 to index
          %get3A_485 = arith.constant 48 : index
          %get3A_486 = tpu.vector_load %arg16[%get3A_484, %get3A_485] {strides = array<i32>} : memref<64x128xf32, #tpu.memory_space<vmem>>, vector<16xf32>,
          %add3A_487 = arith.addf %get3A_483, %get3A_486 : vector<16xf32>
          %get3A_488 = arith.index_cast %add3A_445 : i32 to index
          %get3A_489 = arith.constant 48 : index
          %get3A_490 = tpu.vector_load %arg17[%get3A_488, %get3A_489] {strides = array<i32>} : memref<64x128xf32, #tpu.memory_space<vmem>>, vector<16xf32>,
          %sub3A_491 = arith.subf %add3A_487, %get3A_490 : vector<16xf32>
          %mul3A_492 = arith.mulf %sub3A_491, %sub3A_491 : vector<16xf32>
          %get3A_493 = arith.index_cast %add3A_445 : i32 to index
          %get3A_494 = arith.constant 64 : index
          %get3A_495 = tpu.vector_load %arg15[%get3A_493, %get3A_494] {strides = array<i32>} : memref<64x128xf32, #tpu.memory_space<vmem>>, vector<16xf32>,
          %get3A_496 = arith.index_cast %add3A_445 : i32 to index
          %get3A_497 = arith.constant 64 : index
          %get3A_498 = tpu.vector_load %arg16[%get3A_496, %get3A_497] {strides = array<i32>} : memref<64x128xf32, #tpu.memory_space<vmem>>, vector<16xf32>,
          %add3A_499 = arith.addf %get3A_495, %get3A_498 : vector<16xf32>
          %get3A_500 = arith.index_cast %add3A_445 : i32 to index
          %get3A_501 = arith.constant 64 : index
          %get3A_502 = tpu.vector_load %arg17[%get3A_500, %get3A_501] {strides = array<i32>} : memref<64x128xf32, #tpu.memory_space<vmem>>, vector<16xf32>,
          %sub3A_503 = arith.subf %add3A_499, %get3A_502 : vector<16xf32>
          %mul3A_504 = arith.mulf %sub3A_503, %sub3A_503 : vector<16xf32>
          %get3A_505 = arith.index_cast %add3A_445 : i32 to index
          %get3A_506 = arith.constant 80 : index
          %get3A_507 = tpu.vector_load %arg15[%get3A_505, %get3A_506] {strides = array<i32>} : memref<64x128xf32, #tpu.memory_space<vmem>>, vector<16xf32>,
          %get3A_508 = arith.index_cast %add3A_445 : i32 to index
          %get3A_509 = arith.constant 80 : index
          %get3A_510 = tpu.vector_load %arg16[%get3A_508, %get3A_509] {strides = array<i32>} : memref<64x128xf32, #tpu.memory_space<vmem>>, vector<16xf32>,
          %add3A_511 = arith.addf %get3A_507, %get3A_510 : vector<16xf32>
          %get3A_512 = arith.index_cast %add3A_445 : i32 to index
          %get3A_513 = arith.constant 80 : index
          %get3A_514 = tpu.vector_load %arg17[%get3A_512, %get3A_513] {strides = array<i32>} : memref<64x128xf32, #tpu.memory_space<vmem>>, vector<16xf32>,
          %sub3A_515 = arith.subf %add3A_511, %get3A_514 : vector<16xf32>
          %mul3A_516 = arith.mulf %sub3A_515, %sub3A_515 : vector<16xf32>
          %get3A_517 = arith.index_cast %add3A_445 : i32 to index
          %get3A_518 = arith.constant 96 : index
          %get3A_519 = tpu.vector_load %arg15[%get3A_517, %get3A_518] {strides = array<i32>} : memref<64x128xf32, #tpu.memory_space<vmem>>, vector<16xf32>,
          %get3A_520 = arith.index_cast %add3A_445 : i32 to index
          %get3A_521 = arith.constant 96 : index
          %get3A_522 = tpu.vector_load %arg16[%get3A_520, %get3A_521] {strides = array<i32>} : memref<64x128xf32, #tpu.memory_space<vmem>>, vector<16xf32>,
          %add3A_523 = arith.addf %get3A_519, %get3A_522 : vector<16xf32>
          %get3A_524 = arith.index_cast %add3A_445 : i32 to index
          %get3A_525 = arith.constant 96 : index
          %get3A_526 = tpu.vector_load %arg17[%get3A_524, %get3A_525] {strides = array<i32>} : memref<64x128xf32, #tpu.memory_space<vmem>>, vector<16xf32>,
          %sub3A_527 = arith.subf %add3A_523, %get3A_526 : vector<16xf32>
          %mul3A_528 = arith.mulf %sub3A_527, %sub3A_527 : vector<16xf32>
          %get3A_529 = arith.index_cast %add3A_445 : i32 to index
          %get3A_530 = arith.constant 112 : index
          %get3A_531 = tpu.vector_load %arg15[%get3A_529, %get3A_530] {strides = array<i32>} : memref<64x128xf32, #tpu.memory_space<vmem>>, vector<16xf32>,
          %get3A_532 = arith.index_cast %add3A_445 : i32 to index
          %get3A_533 = arith.constant 112 : index
          %get3A_534 = tpu.vector_load %arg16[%get3A_532, %get3A_533] {strides = array<i32>} : memref<64x128xf32, #tpu.memory_space<vmem>>, vector<16xf32>,
          %add3A_535 = arith.addf %get3A_531, %get3A_534 : vector<16xf32>
          %get3A_536 = arith.index_cast %add3A_445 : i32 to index
          %get3A_537 = arith.constant 112 : index
          %get3A_538 = tpu.vector_load %arg17[%get3A_536, %get3A_537] {strides = array<i32>} : memref<64x128xf32, #tpu.memory_space<vmem>>, vector<16xf32>,
          %sub3A_539 = arith.subf %add3A_535, %get3A_538 : vector<16xf32>
          %mul3A_540 = arith.mulf %sub3A_539, %sub3A_539 : vector<16xf32>
          %add3A_541 = arith.addf %mul3A_456, %mul3A_468 : vector<16xf32>
          %add3A_542 = arith.addf %mul3A_480, %mul3A_492 : vector<16xf32>
          %add3A_543 = arith.addf %add3A_541, %add3A_542 : vector<16xf32>
          %add3A_544 = arith.addf %mul3A_504, %mul3A_516 : vector<16xf32>
          %add3A_545 = arith.addf %mul3A_528, %mul3A_540 : vector<16xf32>
          %add3A_546 = arith.addf %add3A_544, %add3A_545 : vector<16xf32>
          %add3A_547 = arith.addf %add3A_543, %add3A_546 : vector<16xf32>
          %reduce_sum3A = arith.constant true
          %reduce_sum3A_548 = vector.broadcast %reduce_sum3A : i1 to vector<16xi1>
          %reduce_sum3A_549 = tpu.scan <sum>, %add3A_547 masked %reduce_sum3A_548 : vector<16xf32>, vector<16xi1> -> vector<16xf32>
          %reduce_sum3A_550 = vector.extract %reduce_sum3A_549[15] : f32 from vector<16xf32>
          %eq3A_551 = vector.broadcast %scan3A_441 : i32 to vector<16xi32>
          %eq3A_552 = arith.cmpi eq, %iota3A_326, %eq3A_551 : vector<16xi32>
          %broadcast_in_dim3A_553 = vector.broadcast %reduce_sum3A_550 : f32 to vector<16xf32>
          %select_n3A = arith.select %eq3A_552, %broadcast_in_dim3A_553, %scan3A_442 : vector<16xi1>, vector<16xf32>
          scf.yield %select_n3A : vector<16xf32>
        }
        %scan3A_399 = arith.constant 16 : i32
        %add3A_400 = arith.constant 1.000000e-24 : f32
        %add3A_401 = vector.broadcast %add3A_400 : f32 to vector<16xf32>
        %add3A_402 = arith.addf %scan3A_398, %add3A_401 : vector<16xf32>
        %bitcast_convert_type3A = tpu.bitcast %add3A_402 : vector<16xf32> -> vector<16xi32>
        %shift_right_arithmetic3A = arith.constant 1 : i32
        %shift_right_arithmetic3A_403 = vector.broadcast %shift_right_arithmetic3A : i32 to vector<16xi32>
        %shift_right_arithmetic3A_404 = arith.shrsi %bitcast_convert_type3A, %shift_right_arithmetic3A_403 : vector<16xi32>
        %sub3A = arith.constant 1597463007 : i32
        %sub3A_405 = vector.broadcast %sub3A : i32 to vector<16xi32>
        %sub3A_406 = arith.subi %sub3A_405, %shift_right_arithmetic3A_404 : vector<16xi32>
        %bitcast_convert_type3A_407 = tpu.bitcast %sub3A_406 : vector<16xi32> -> vector<16xf32>
        %mul3A_408 = arith.constant 5.000000e-01 : f32
        %mul3A_409 = vector.broadcast %mul3A_408 : f32 to vector<16xf32>
        %mul3A_410 = arith.mulf %mul3A_409, %add3A_402 : vector<16xf32>
        %mul3A_411 = arith.mulf %mul3A_410, %bitcast_convert_type3A_407 : vector<16xf32>
        %mul3A_412 = arith.mulf %mul3A_411, %bitcast_convert_type3A_407 : vector<16xf32>
        %sub3A_413 = arith.constant 1.500000e+00 : f32
        %sub3A_414 = vector.broadcast %sub3A_413 : f32 to vector<16xf32>
        %sub3A_415 = arith.subf %sub3A_414, %mul3A_412 : vector<16xf32>
        %mul3A_416 = arith.mulf %bitcast_convert_type3A_407, %sub3A_415 : vector<16xf32>
        %mul3A_417 = arith.constant 5.000000e-01 : f32
        %mul3A_418 = vector.broadcast %mul3A_417 : f32 to vector<16xf32>
        %mul3A_419 = arith.mulf %mul3A_418, %add3A_402 : vector<16xf32>
        %mul3A_420 = arith.mulf %mul3A_419, %mul3A_416 : vector<16xf32>
        %mul3A_421 = arith.mulf %mul3A_420, %mul3A_416 : vector<16xf32>
        %sub3A_422 = arith.constant 1.500000e+00 : f32
        %sub3A_423 = vector.broadcast %sub3A_422 : f32 to vector<16xf32>
        %sub3A_424 = arith.subf %sub3A_423, %mul3A_421 : vector<16xf32>
        %mul3A_425 = arith.mulf %mul3A_416, %sub3A_424 : vector<16xf32>
        %mul3A_426 = arith.constant 5.000000e-01 : f32
        %mul3A_427 = vector.broadcast %mul3A_426 : f32 to vector<16xf32>
        %mul3A_428 = arith.mulf %mul3A_427, %add3A_402 : vector<16xf32>
        %mul3A_429 = arith.mulf %mul3A_428, %mul3A_425 : vector<16xf32>
        %mul3A_430 = arith.mulf %mul3A_429, %mul3A_425 : vector<16xf32>
        %sub3A_431 = arith.constant 1.500000e+00 : f32
        %sub3A_432 = vector.broadcast %sub3A_431 : f32 to vector<16xf32>
        %sub3A_433 = arith.subf %sub3A_432, %mul3A_430 : vector<16xf32>
        %mul3A_434 = arith.mulf %mul3A_425, %sub3A_433 : vector<16xf32>
        %mul3A_435 = arith.mulf %add3A_402, %mul3A_434 : vector<16xf32>
        %mul3A_436 = arith.constant 16 : i32
        %mul3A_437 = arith.muli %scan3A_391, %mul3A_436 : i32
        %add3A_438 = arith.addi %mul3A_325, %mul3A_437 : i32
        %swap3A = arith.index_cast %add3A_438 : i32 to index
        %swap3A_439 = tpu.vector_load %arg21[%swap3A] {strides = array<i32>} : memref<1024xf32, #tpu.memory_space<vmem>>, vector<16xf32>,
        tpu.vector_store %arg21[%swap3A], %mul3A_435 {strides = array<i32>} : memref<1024xf32, #tpu.memory_space<vmem>>, vector<16xf32>,
        %scan3A_440 = arith.constant 0 : i32
        scf.yield %scan3A_440 : i32
      }
      %scan3A_333 = arith.constant 4 : i32
      %add3A_334 = arith.constant 4 : i32
      %add3A_335 = arith.addi %add3A_305, %add3A_334 : i32
      %lt3A_336 = arith.constant 16 : i32
      %lt3A_337 = arith.cmpi slt, %add3A_335, %lt3A_336 : i32
      %convert_element_type3A_338 = arith.extui %lt3A_337 : i1 to i32
      %cond3A_339 = arith.constant 0 : i32
      %cond3A_340 = arith.cmpi ne, %convert_element_type3A_338, %cond3A_339 : i32
      scf.if %cond3A_340 {
        %add3A_391 = arith.constant 4 : i32
        %add3A_392 = arith.addi %add3A_305, %add3A_391 : i32
        %jit3A = arith.constant 8 : i32
        %div3A = arith.divsi %add3A_392, %jit3A : i32
        %sign3A = arith.constant 0 : i32
        %sign3A_393 = arith.cmpi sgt, %add3A_392, %sign3A : i32
        %sign3A_394 = arith.extui %sign3A_393 : i1 to i32
        %sign3A_395 = arith.constant 0 : i32
        %sign3A_396 = arith.cmpi slt, %add3A_392, %sign3A_395 : i32
        %sign3A_397 = arith.extui %sign3A_396 : i1 to i32
        %sign3A_398 = arith.subi %sign3A_394, %sign3A_397 : i32
        %sign3A_399 = arith.constant 0 : i32
        %sign3A_400 = arith.cmpi sgt, %jit3A, %sign3A_399 : i32
        %sign3A_401 = arith.extui %sign3A_400 : i1 to i32
        %sign3A_402 = arith.constant 0 : i32
        %sign3A_403 = arith.cmpi slt, %jit3A, %sign3A_402 : i32
        %sign3A_404 = arith.extui %sign3A_403 : i1 to i32
        %sign3A_405 = arith.subi %sign3A_401, %sign3A_404 : i32
        %ne3A = arith.cmpi ne, %sign3A_398, %sign3A_405 : i32
        %rem3A = arith.remsi %add3A_392, %jit3A : i32
        %ne3A_406 = arith.constant 0 : i32
        %ne3A_407 = arith.cmpi ne, %rem3A, %ne3A_406 : i32
        %and3A = arith.andi %ne3A, %ne3A_407 : i1
        %sub3A = arith.constant 1 : i32
        %sub3A_408 = arith.subi %div3A, %sub3A : i32
        %select_n3A = arith.select %and3A, %sub3A_408, %div3A : i32
        %mul3A_409 = arith.constant 8 : i32
        %mul3A_410 = arith.muli %select_n3A, %mul3A_409 : i32
        %sub3A_411 = arith.subi %add3A_392, %mul3A_410 : i32
        %mul3A_412 = arith.constant 3 : i32
        %mul3A_413 = arith.muli %mul3A_412, %select_n3A : i32
        %mul3A_414 = arith.constant 64 : i32
        %mul3A_415 = arith.muli %sub3A_411, %mul3A_414 : i32
        %dma_start3A_416 = tpu.memref_slice %arg8[%mul3A_413, %mul3A_415] : memref<6x512xi32, #tpu.memory_space<vmem>> -> memref<1x64xi32, #tpu.memory_space<vmem>>
        %dma_start3A_417 = tpu.memref_squeeze %dma_start3A_416 : memref<1x64xi32, #tpu.memory_space<vmem>> -> memref<64xi32, #tpu.memory_space<vmem>>
        %dma_start3A_418 = arith.constant 0 : i32
        %dma_start3A_419 = arith.constant 0 : i32
        %dma_start3A_420 = tpu.memref_slice %arg4[%dma_start3A_418, %dma_start3A_419] : memref<1000000x128xf32, #tpu.memory_space<hbm>> -> memref<1000000x128xf32, #tpu.memory_space<hbm>>
        tpu.enqueue_indirect_dma source(%dma_start3A_420 : memref<1000000x128xf32, #tpu.memory_space<hbm>>) target(%arg15 : memref<64x128xf32, #tpu.memory_space<vmem>>) offsets(%dma_start3A_417 : memref<64xi32, #tpu.memory_space<vmem>>) semaphore(%arg24 : memref<!tpu.dma_semaphore, #tpu.memory_space<semaphore_mem>>)
        %add3A_421 = arith.constant 1 : i32
        %add3A_422 = arith.addi %mul3A_413, %add3A_421 : i32
        %dma_start3A_423 = tpu.memref_slice %arg8[%add3A_422, %mul3A_415] : memref<6x512xi32, #tpu.memory_space<vmem>> -> memref<1x64xi32, #tpu.memory_space<vmem>>
        %dma_start3A_424 = tpu.memref_squeeze %dma_start3A_423 : memref<1x64xi32, #tpu.memory_space<vmem>> -> memref<64xi32, #tpu.memory_space<vmem>>
        %dma_start3A_425 = arith.constant 0 : i32
        %dma_start3A_426 = arith.constant 0 : i32
        %dma_start3A_427 = tpu.memref_slice %arg5[%dma_start3A_425, %dma_start3A_426] : memref<100000x128xf32, #tpu.memory_space<hbm>> -> memref<100000x128xf32, #tpu.memory_space<hbm>>
        tpu.enqueue_indirect_dma source(%dma_start3A_427 : memref<100000x128xf32, #tpu.memory_space<hbm>>) target(%arg16 : memref<64x128xf32, #tpu.memory_space<vmem>>) offsets(%dma_start3A_424 : memref<64xi32, #tpu.memory_space<vmem>>) semaphore(%arg24 : memref<!tpu.dma_semaphore, #tpu.memory_space<semaphore_mem>>)
        %add3A_428 = arith.constant 2 : i32
        %add3A_429 = arith.addi %mul3A_413, %add3A_428 : i32
        %dma_start3A_430 = tpu.memref_slice %arg8[%add3A_429, %mul3A_415] : memref<6x512xi32, #tpu.memory_space<vmem>> -> memref<1x64xi32, #tpu.memory_space<vmem>>
        %dma_start3A_431 = tpu.memref_squeeze %dma_start3A_430 : memref<1x64xi32, #tpu.memory_space<vmem>> -> memref<64xi32, #tpu.memory_space<vmem>>
        %dma_start3A_432 = arith.constant 0 : i32
        %dma_start3A_433 = arith.constant 0 : i32
        %dma_start3A_434 = tpu.memref_slice %arg4[%dma_start3A_432, %dma_start3A_433] : memref<1000000x128xf32, #tpu.memory_space<hbm>> -> memref<1000000x128xf32, #tpu.memory_space<hbm>>
        tpu.enqueue_indirect_dma source(%dma_start3A_434 : memref<1000000x128xf32, #tpu.memory_space<hbm>>) target(%arg17 : memref<64x128xf32, #tpu.memory_space<vmem>>) offsets(%dma_start3A_431 : memref<64xi32, #tpu.memory_space<vmem>>) semaphore(%arg24 : memref<!tpu.dma_semaphore, #tpu.memory_space<semaphore_mem>>)
      } else {
      }
      %eq3A_341 = arith.constant 7 : i32
      %eq3A_342 = arith.cmpi eq, %add3A_305, %eq3A_341 : i32
      %convert_element_type3A_343 = arith.extui %eq3A_342 : i1 to i32
      %cond3A_344 = arith.constant 0 : i32
      %cond3A_345 = arith.cmpi ne, %convert_element_type3A_343, %cond3A_344 : i32
      scf.if %cond3A_345 {
        %dma_start3A_391 = arith.constant 0 : i32
        %dma_start3A_392 = tpu.memref_slice %arg21[%dma_start3A_391] : memref<1024xf32, #tpu.memory_space<vmem>> -> memref<512xf32, #tpu.memory_space<vmem>>
        %dma_start3A_393 = tpu.memref_slice %arg6[%mul3A_2] : memref<16384xf32, #tpu.memory_space<hbm>> -> memref<512xf32, #tpu.memory_space<hbm>>
        %dma_start3A_394 = tpu.memref_slice %arg6[%mul3A_2] : memref<16384xf32, #tpu.memory_space<hbm>> -> memref<512xf32, #tpu.memory_space<hbm>>
        %dma_start3A_395 = arith.constant 0 : i32
        %dma_start3A_396 = tpu.memref_slice %arg21[%dma_start3A_395] : memref<1024xf32, #tpu.memory_space<vmem>> -> memref<512xf32, #tpu.memory_space<vmem>>
        tpu.enqueue_dma source(%dma_start3A_396 : memref<512xf32, #tpu.memory_space<vmem>>) target(%dma_start3A_394 : memref<512xf32, #tpu.memory_space<hbm>>) target_semaphore(%arg26 : memref<!tpu.dma_semaphore, #tpu.memory_space<semaphore_mem>>)
      } else {
      }
      %mul3A_346 = arith.constant 4 : i32
      %mul3A_347 = arith.muli %mul3A_346, %scan3A_217 : i32
      %add3A_348 = arith.constant 3 : i32
      %add3A_349 = arith.addi %mul3A_347, %add3A_348 : i32
      %dma_wait3A_350 = arith.constant 0 : i32
      %dma_wait3A_351 = arith.constant 0 : i32
      %dma_wait3A_352 = tpu.memref_slice %arg4[%dma_wait3A_350, %dma_wait3A_351] : memref<1000000x128xf32, #tpu.memory_space<hbm>> -> memref<64x128xf32, #tpu.memory_space<hbm>>
      %dma_wait3A_353 = arith.constant 0 : i32
      %dma_wait3A_354 = arith.constant 0 : i32
      %dma_wait3A_355 = tpu.memref_slice %arg4[%dma_wait3A_353, %dma_wait3A_354] : memref<1000000x128xf32, #tpu.memory_space<hbm>> -> memref<64x128xf32, #tpu.memory_space<hbm>>
      tpu.wait_dma2 semaphore(%arg25 : memref<!tpu.dma_semaphore, #tpu.memory_space<semaphore_mem>>) src(%dma_wait3A_355 : memref<64x128xf32, #tpu.memory_space<hbm>>) dst(%arg18 : memref<64x128xf32, #tpu.memory_space<vmem>>)
      %dma_wait3A_356 = arith.constant 0 : i32
      %dma_wait3A_357 = arith.constant 0 : i32
      %dma_wait3A_358 = tpu.memref_slice %arg4[%dma_wait3A_356, %dma_wait3A_357] : memref<1000000x128xf32, #tpu.memory_space<hbm>> -> memref<64x128xf32, #tpu.memory_space<hbm>>
      %dma_wait3A_359 = arith.constant 0 : i32
      %dma_wait3A_360 = arith.constant 0 : i32
      %dma_wait3A_361 = tpu.memref_slice %arg4[%dma_wait3A_359, %dma_wait3A_360] : memref<1000000x128xf32, #tpu.memory_space<hbm>> -> memref<64x128xf32, #tpu.memory_space<hbm>>
      tpu.wait_dma2 semaphore(%arg25 : memref<!tpu.dma_semaphore, #tpu.memory_space<semaphore_mem>>) src(%dma_wait3A_361 : memref<64x128xf32, #tpu.memory_space<hbm>>) dst(%arg19 : memref<64x128xf32, #tpu.memory_space<vmem>>)
      %dma_wait3A_362 = arith.constant 0 : i32
      %dma_wait3A_363 = arith.constant 0 : i32
      %dma_wait3A_364 = tpu.memref_slice %arg4[%dma_wait3A_362, %dma_wait3A_363] : memref<1000000x128xf32, #tpu.memory_space<hbm>> -> memref<64x128xf32, #tpu.memory_space<hbm>>
      %dma_wait3A_365 = arith.constant 0 : i32
      %dma_wait3A_366 = arith.constant 0 : i32
      %dma_wait3A_367 = tpu.memref_slice %arg4[%dma_wait3A_365, %dma_wait3A_366] : memref<1000000x128xf32, #tpu.memory_space<hbm>> -> memref<64x128xf32, #tpu.memory_space<hbm>>
      tpu.wait_dma2 semaphore(%arg25 : memref<!tpu.dma_semaphore, #tpu.memory_space<semaphore_mem>>) src(%dma_wait3A_367 : memref<64x128xf32, #tpu.memory_space<hbm>>) dst(%arg20 : memref<64x128xf32, #tpu.memory_space<vmem>>)
      %mul3A_368 = arith.constant 64 : i32
      %mul3A_369 = arith.muli %add3A_349, %mul3A_368 : i32
      %iota3A_370 = tpu.iota {dimensions = array<i32: 0>} : vector<16xi32>
      %scan3A_371 = arith.constant 0 : i32
      %scan3A_372 = arith.constant 0 : i32
      %scan3A_373 = arith.constant 4 : i32
      %scan3A_374 = arith.addi %scan3A_372, %scan3A_373 : i32
      %scan3A_375 = arith.constant 1 : i32
      %scan3A_376 = scf.for %scan3A_391 = %scan3A_372 to %scan3A_374 step %scan3A_375 iter_args(%scan3A_392 = %scan3A_371) -> (i32)  : i32 {
        %broadcast_in_dim3A = arith.constant 0.000000e+00 : f32
        %broadcast_in_dim3A_393 = vector.broadcast %broadcast_in_dim3A : f32 to vector<16xf32>
        %scan3A_394 = arith.constant 0 : i32
        %scan3A_395 = arith.constant 16 : i32
        %scan3A_396 = arith.addi %scan3A_394, %scan3A_395 : i32
        %scan3A_397 = arith.constant 1 : i32
        %scan3A_398 = scf.for %scan3A_441 = %scan3A_394 to %scan3A_396 step %scan3A_397 iter_args(%scan3A_442 = %broadcast_in_dim3A_393) -> (vector<16xf32>)  : i32 {
          %mul3A_443 = arith.constant 16 : i32
          %mul3A_444 = arith.muli %scan3A_391, %mul3A_443 : i32
          %add3A_445 = arith.addi %mul3A_444, %scan3A_441 : i32
          %get3A = arith.index_cast %add3A_445 : i32 to index
          %get3A_446 = arith.constant 0 : index
          %get3A_447 = tpu.vector_load %arg18[%get3A, %get3A_446] {strides = array<i32>} : memref<64x128xf32, #tpu.memory_space<vmem>>, vector<16xf32>,
          %get3A_448 = arith.index_cast %add3A_445 : i32 to index
          %get3A_449 = arith.constant 0 : index
          %get3A_450 = tpu.vector_load %arg19[%get3A_448, %get3A_449] {strides = array<i32>} : memref<64x128xf32, #tpu.memory_space<vmem>>, vector<16xf32>,
          %add3A_451 = arith.addf %get3A_447, %get3A_450 : vector<16xf32>
          %get3A_452 = arith.index_cast %add3A_445 : i32 to index
          %get3A_453 = arith.constant 0 : index
          %get3A_454 = tpu.vector_load %arg20[%get3A_452, %get3A_453] {strides = array<i32>} : memref<64x128xf32, #tpu.memory_space<vmem>>, vector<16xf32>,
          %sub3A_455 = arith.subf %add3A_451, %get3A_454 : vector<16xf32>
          %mul3A_456 = arith.mulf %sub3A_455, %sub3A_455 : vector<16xf32>
          %get3A_457 = arith.index_cast %add3A_445 : i32 to index
          %get3A_458 = arith.constant 16 : index
          %get3A_459 = tpu.vector_load %arg18[%get3A_457, %get3A_458] {strides = array<i32>} : memref<64x128xf32, #tpu.memory_space<vmem>>, vector<16xf32>,
          %get3A_460 = arith.index_cast %add3A_445 : i32 to index
          %get3A_461 = arith.constant 16 : index
          %get3A_462 = tpu.vector_load %arg19[%get3A_460, %get3A_461] {strides = array<i32>} : memref<64x128xf32, #tpu.memory_space<vmem>>, vector<16xf32>,
          %add3A_463 = arith.addf %get3A_459, %get3A_462 : vector<16xf32>
          %get3A_464 = arith.index_cast %add3A_445 : i32 to index
          %get3A_465 = arith.constant 16 : index
          %get3A_466 = tpu.vector_load %arg20[%get3A_464, %get3A_465] {strides = array<i32>} : memref<64x128xf32, #tpu.memory_space<vmem>>, vector<16xf32>,
          %sub3A_467 = arith.subf %add3A_463, %get3A_466 : vector<16xf32>
          %mul3A_468 = arith.mulf %sub3A_467, %sub3A_467 : vector<16xf32>
          %get3A_469 = arith.index_cast %add3A_445 : i32 to index
          %get3A_470 = arith.constant 32 : index
          %get3A_471 = tpu.vector_load %arg18[%get3A_469, %get3A_470] {strides = array<i32>} : memref<64x128xf32, #tpu.memory_space<vmem>>, vector<16xf32>,
          %get3A_472 = arith.index_cast %add3A_445 : i32 to index
          %get3A_473 = arith.constant 32 : index
          %get3A_474 = tpu.vector_load %arg19[%get3A_472, %get3A_473] {strides = array<i32>} : memref<64x128xf32, #tpu.memory_space<vmem>>, vector<16xf32>,
          %add3A_475 = arith.addf %get3A_471, %get3A_474 : vector<16xf32>
          %get3A_476 = arith.index_cast %add3A_445 : i32 to index
          %get3A_477 = arith.constant 32 : index
          %get3A_478 = tpu.vector_load %arg20[%get3A_476, %get3A_477] {strides = array<i32>} : memref<64x128xf32, #tpu.memory_space<vmem>>, vector<16xf32>,
          %sub3A_479 = arith.subf %add3A_475, %get3A_478 : vector<16xf32>
          %mul3A_480 = arith.mulf %sub3A_479, %sub3A_479 : vector<16xf32>
          %get3A_481 = arith.index_cast %add3A_445 : i32 to index
          %get3A_482 = arith.constant 48 : index
          %get3A_483 = tpu.vector_load %arg18[%get3A_481, %get3A_482] {strides = array<i32>} : memref<64x128xf32, #tpu.memory_space<vmem>>, vector<16xf32>,
          %get3A_484 = arith.index_cast %add3A_445 : i32 to index
          %get3A_485 = arith.constant 48 : index
          %get3A_486 = tpu.vector_load %arg19[%get3A_484, %get3A_485] {strides = array<i32>} : memref<64x128xf32, #tpu.memory_space<vmem>>, vector<16xf32>,
          %add3A_487 = arith.addf %get3A_483, %get3A_486 : vector<16xf32>
          %get3A_488 = arith.index_cast %add3A_445 : i32 to index
          %get3A_489 = arith.constant 48 : index
          %get3A_490 = tpu.vector_load %arg20[%get3A_488, %get3A_489] {strides = array<i32>} : memref<64x128xf32, #tpu.memory_space<vmem>>, vector<16xf32>,
          %sub3A_491 = arith.subf %add3A_487, %get3A_490 : vector<16xf32>
          %mul3A_492 = arith.mulf %sub3A_491, %sub3A_491 : vector<16xf32>
          %get3A_493 = arith.index_cast %add3A_445 : i32 to index
          %get3A_494 = arith.constant 64 : index
          %get3A_495 = tpu.vector_load %arg18[%get3A_493, %get3A_494] {strides = array<i32>} : memref<64x128xf32, #tpu.memory_space<vmem>>, vector<16xf32>,
          %get3A_496 = arith.index_cast %add3A_445 : i32 to index
          %get3A_497 = arith.constant 64 : index
          %get3A_498 = tpu.vector_load %arg19[%get3A_496, %get3A_497] {strides = array<i32>} : memref<64x128xf32, #tpu.memory_space<vmem>>, vector<16xf32>,
          %add3A_499 = arith.addf %get3A_495, %get3A_498 : vector<16xf32>
          %get3A_500 = arith.index_cast %add3A_445 : i32 to index
          %get3A_501 = arith.constant 64 : index
          %get3A_502 = tpu.vector_load %arg20[%get3A_500, %get3A_501] {strides = array<i32>} : memref<64x128xf32, #tpu.memory_space<vmem>>, vector<16xf32>,
          %sub3A_503 = arith.subf %add3A_499, %get3A_502 : vector<16xf32>
          %mul3A_504 = arith.mulf %sub3A_503, %sub3A_503 : vector<16xf32>
          %get3A_505 = arith.index_cast %add3A_445 : i32 to index
          %get3A_506 = arith.constant 80 : index
          %get3A_507 = tpu.vector_load %arg18[%get3A_505, %get3A_506] {strides = array<i32>} : memref<64x128xf32, #tpu.memory_space<vmem>>, vector<16xf32>,
          %get3A_508 = arith.index_cast %add3A_445 : i32 to index
          %get3A_509 = arith.constant 80 : index
          %get3A_510 = tpu.vector_load %arg19[%get3A_508, %get3A_509] {strides = array<i32>} : memref<64x128xf32, #tpu.memory_space<vmem>>, vector<16xf32>,
          %add3A_511 = arith.addf %get3A_507, %get3A_510 : vector<16xf32>
          %get3A_512 = arith.index_cast %add3A_445 : i32 to index
          %get3A_513 = arith.constant 80 : index
          %get3A_514 = tpu.vector_load %arg20[%get3A_512, %get3A_513] {strides = array<i32>} : memref<64x128xf32, #tpu.memory_space<vmem>>, vector<16xf32>,
          %sub3A_515 = arith.subf %add3A_511, %get3A_514 : vector<16xf32>
          %mul3A_516 = arith.mulf %sub3A_515, %sub3A_515 : vector<16xf32>
          %get3A_517 = arith.index_cast %add3A_445 : i32 to index
          %get3A_518 = arith.constant 96 : index
          %get3A_519 = tpu.vector_load %arg18[%get3A_517, %get3A_518] {strides = array<i32>} : memref<64x128xf32, #tpu.memory_space<vmem>>, vector<16xf32>,
          %get3A_520 = arith.index_cast %add3A_445 : i32 to index
          %get3A_521 = arith.constant 96 : index
          %get3A_522 = tpu.vector_load %arg19[%get3A_520, %get3A_521] {strides = array<i32>} : memref<64x128xf32, #tpu.memory_space<vmem>>, vector<16xf32>,
          %add3A_523 = arith.addf %get3A_519, %get3A_522 : vector<16xf32>
          %get3A_524 = arith.index_cast %add3A_445 : i32 to index
          %get3A_525 = arith.constant 96 : index
          %get3A_526 = tpu.vector_load %arg20[%get3A_524, %get3A_525] {strides = array<i32>} : memref<64x128xf32, #tpu.memory_space<vmem>>, vector<16xf32>,
          %sub3A_527 = arith.subf %add3A_523, %get3A_526 : vector<16xf32>
          %mul3A_528 = arith.mulf %sub3A_527, %sub3A_527 : vector<16xf32>
          %get3A_529 = arith.index_cast %add3A_445 : i32 to index
          %get3A_530 = arith.constant 112 : index
          %get3A_531 = tpu.vector_load %arg18[%get3A_529, %get3A_530] {strides = array<i32>} : memref<64x128xf32, #tpu.memory_space<vmem>>, vector<16xf32>,
          %get3A_532 = arith.index_cast %add3A_445 : i32 to index
          %get3A_533 = arith.constant 112 : index
          %get3A_534 = tpu.vector_load %arg19[%get3A_532, %get3A_533] {strides = array<i32>} : memref<64x128xf32, #tpu.memory_space<vmem>>, vector<16xf32>,
          %add3A_535 = arith.addf %get3A_531, %get3A_534 : vector<16xf32>
          %get3A_536 = arith.index_cast %add3A_445 : i32 to index
          %get3A_537 = arith.constant 112 : index
          %get3A_538 = tpu.vector_load %arg20[%get3A_536, %get3A_537] {strides = array<i32>} : memref<64x128xf32, #tpu.memory_space<vmem>>, vector<16xf32>,
          %sub3A_539 = arith.subf %add3A_535, %get3A_538 : vector<16xf32>
          %mul3A_540 = arith.mulf %sub3A_539, %sub3A_539 : vector<16xf32>
          %add3A_541 = arith.addf %mul3A_456, %mul3A_468 : vector<16xf32>
          %add3A_542 = arith.addf %mul3A_480, %mul3A_492 : vector<16xf32>
          %add3A_543 = arith.addf %add3A_541, %add3A_542 : vector<16xf32>
          %add3A_544 = arith.addf %mul3A_504, %mul3A_516 : vector<16xf32>
          %add3A_545 = arith.addf %mul3A_528, %mul3A_540 : vector<16xf32>
          %add3A_546 = arith.addf %add3A_544, %add3A_545 : vector<16xf32>
          %add3A_547 = arith.addf %add3A_543, %add3A_546 : vector<16xf32>
          %reduce_sum3A = arith.constant true
          %reduce_sum3A_548 = vector.broadcast %reduce_sum3A : i1 to vector<16xi1>
          %reduce_sum3A_549 = tpu.scan <sum>, %add3A_547 masked %reduce_sum3A_548 : vector<16xf32>, vector<16xi1> -> vector<16xf32>
          %reduce_sum3A_550 = vector.extract %reduce_sum3A_549[15] : f32 from vector<16xf32>
          %eq3A_551 = vector.broadcast %scan3A_441 : i32 to vector<16xi32>
          %eq3A_552 = arith.cmpi eq, %iota3A_370, %eq3A_551 : vector<16xi32>
          %broadcast_in_dim3A_553 = vector.broadcast %reduce_sum3A_550 : f32 to vector<16xf32>
          %select_n3A = arith.select %eq3A_552, %broadcast_in_dim3A_553, %scan3A_442 : vector<16xi1>, vector<16xf32>
          scf.yield %select_n3A : vector<16xf32>
        }
        %scan3A_399 = arith.constant 16 : i32
        %add3A_400 = arith.constant 1.000000e-24 : f32
        %add3A_401 = vector.broadcast %add3A_400 : f32 to vector<16xf32>
        %add3A_402 = arith.addf %scan3A_398, %add3A_401 : vector<16xf32>
        %bitcast_convert_type3A = tpu.bitcast %add3A_402 : vector<16xf32> -> vector<16xi32>
        %shift_right_arithmetic3A = arith.constant 1 : i32
        %shift_right_arithmetic3A_403 = vector.broadcast %shift_right_arithmetic3A : i32 to vector<16xi32>
        %shift_right_arithmetic3A_404 = arith.shrsi %bitcast_convert_type3A, %shift_right_arithmetic3A_403 : vector<16xi32>
        %sub3A = arith.constant 1597463007 : i32
        %sub3A_405 = vector.broadcast %sub3A : i32 to vector<16xi32>
        %sub3A_406 = arith.subi %sub3A_405, %shift_right_arithmetic3A_404 : vector<16xi32>
        %bitcast_convert_type3A_407 = tpu.bitcast %sub3A_406 : vector<16xi32> -> vector<16xf32>
        %mul3A_408 = arith.constant 5.000000e-01 : f32
        %mul3A_409 = vector.broadcast %mul3A_408 : f32 to vector<16xf32>
        %mul3A_410 = arith.mulf %mul3A_409, %add3A_402 : vector<16xf32>
        %mul3A_411 = arith.mulf %mul3A_410, %bitcast_convert_type3A_407 : vector<16xf32>
        %mul3A_412 = arith.mulf %mul3A_411, %bitcast_convert_type3A_407 : vector<16xf32>
        %sub3A_413 = arith.constant 1.500000e+00 : f32
        %sub3A_414 = vector.broadcast %sub3A_413 : f32 to vector<16xf32>
        %sub3A_415 = arith.subf %sub3A_414, %mul3A_412 : vector<16xf32>
        %mul3A_416 = arith.mulf %bitcast_convert_type3A_407, %sub3A_415 : vector<16xf32>
        %mul3A_417 = arith.constant 5.000000e-01 : f32
        %mul3A_418 = vector.broadcast %mul3A_417 : f32 to vector<16xf32>
        %mul3A_419 = arith.mulf %mul3A_418, %add3A_402 : vector<16xf32>
        %mul3A_420 = arith.mulf %mul3A_419, %mul3A_416 : vector<16xf32>
        %mul3A_421 = arith.mulf %mul3A_420, %mul3A_416 : vector<16xf32>
        %sub3A_422 = arith.constant 1.500000e+00 : f32
        %sub3A_423 = vector.broadcast %sub3A_422 : f32 to vector<16xf32>
        %sub3A_424 = arith.subf %sub3A_423, %mul3A_421 : vector<16xf32>
        %mul3A_425 = arith.mulf %mul3A_416, %sub3A_424 : vector<16xf32>
        %mul3A_426 = arith.constant 5.000000e-01 : f32
        %mul3A_427 = vector.broadcast %mul3A_426 : f32 to vector<16xf32>
        %mul3A_428 = arith.mulf %mul3A_427, %add3A_402 : vector<16xf32>
        %mul3A_429 = arith.mulf %mul3A_428, %mul3A_425 : vector<16xf32>
        %mul3A_430 = arith.mulf %mul3A_429, %mul3A_425 : vector<16xf32>
        %sub3A_431 = arith.constant 1.500000e+00 : f32
        %sub3A_432 = vector.broadcast %sub3A_431 : f32 to vector<16xf32>
        %sub3A_433 = arith.subf %sub3A_432, %mul3A_430 : vector<16xf32>
        %mul3A_434 = arith.mulf %mul3A_425, %sub3A_433 : vector<16xf32>
        %mul3A_435 = arith.mulf %add3A_402, %mul3A_434 : vector<16xf32>
        %mul3A_436 = arith.constant 16 : i32
        %mul3A_437 = arith.muli %scan3A_391, %mul3A_436 : i32
        %add3A_438 = arith.addi %mul3A_369, %mul3A_437 : i32
        %swap3A = arith.index_cast %add3A_438 : i32 to index
        %swap3A_439 = tpu.vector_load %arg21[%swap3A] {strides = array<i32>} : memref<1024xf32, #tpu.memory_space<vmem>>, vector<16xf32>,
        tpu.vector_store %arg21[%swap3A], %mul3A_435 {strides = array<i32>} : memref<1024xf32, #tpu.memory_space<vmem>>, vector<16xf32>,
        %scan3A_440 = arith.constant 0 : i32
        scf.yield %scan3A_440 : i32
      }
      %scan3A_377 = arith.constant 4 : i32
      %add3A_378 = arith.constant 4 : i32
      %add3A_379 = arith.addi %add3A_349, %add3A_378 : i32
      %lt3A_380 = arith.constant 16 : i32
      %lt3A_381 = arith.cmpi slt, %add3A_379, %lt3A_380 : i32
      %convert_element_type3A_382 = arith.extui %lt3A_381 : i1 to i32
      %cond3A_383 = arith.constant 0 : i32
      %cond3A_384 = arith.cmpi ne, %convert_element_type3A_382, %cond3A_383 : i32
      scf.if %cond3A_384 {
        %add3A_391 = arith.constant 4 : i32
        %add3A_392 = arith.addi %add3A_349, %add3A_391 : i32
        %jit3A = arith.constant 8 : i32
        %div3A = arith.divsi %add3A_392, %jit3A : i32
        %sign3A = arith.constant 0 : i32
        %sign3A_393 = arith.cmpi sgt, %add3A_392, %sign3A : i32
        %sign3A_394 = arith.extui %sign3A_393 : i1 to i32
        %sign3A_395 = arith.constant 0 : i32
        %sign3A_396 = arith.cmpi slt, %add3A_392, %sign3A_395 : i32
        %sign3A_397 = arith.extui %sign3A_396 : i1 to i32
        %sign3A_398 = arith.subi %sign3A_394, %sign3A_397 : i32
        %sign3A_399 = arith.constant 0 : i32
        %sign3A_400 = arith.cmpi sgt, %jit3A, %sign3A_399 : i32
        %sign3A_401 = arith.extui %sign3A_400 : i1 to i32
        %sign3A_402 = arith.constant 0 : i32
        %sign3A_403 = arith.cmpi slt, %jit3A, %sign3A_402 : i32
        %sign3A_404 = arith.extui %sign3A_403 : i1 to i32
        %sign3A_405 = arith.subi %sign3A_401, %sign3A_404 : i32
        %ne3A = arith.cmpi ne, %sign3A_398, %sign3A_405 : i32
        %rem3A = arith.remsi %add3A_392, %jit3A : i32
        %ne3A_406 = arith.constant 0 : i32
        %ne3A_407 = arith.cmpi ne, %rem3A, %ne3A_406 : i32
        %and3A = arith.andi %ne3A, %ne3A_407 : i1
        %sub3A = arith.constant 1 : i32
        %sub3A_408 = arith.subi %div3A, %sub3A : i32
        %select_n3A = arith.select %and3A, %sub3A_408, %div3A : i32
        %mul3A_409 = arith.constant 8 : i32
        %mul3A_410 = arith.muli %select_n3A, %mul3A_409 : i32
        %sub3A_411 = arith.subi %add3A_392, %mul3A_410 : i32
        %mul3A_412 = arith.constant 3 : i32
        %mul3A_413 = arith.muli %mul3A_412, %select_n3A : i32
        %mul3A_414 = arith.constant 64 : i32
        %mul3A_415 = arith.muli %sub3A_411, %mul3A_414 : i32
        %dma_start3A_416 = tpu.memref_slice %arg8[%mul3A_413, %mul3A_415] : memref<6x512xi32, #tpu.memory_space<vmem>> -> memref<1x64xi32, #tpu.memory_space<vmem>>
        %dma_start3A_417 = tpu.memref_squeeze %dma_start3A_416 : memref<1x64xi32, #tpu.memory_space<vmem>> -> memref<64xi32, #tpu.memory_space<vmem>>
        %dma_start3A_418 = arith.constant 0 : i32
        %dma_start3A_419 = arith.constant 0 : i32
        %dma_start3A_420 = tpu.memref_slice %arg4[%dma_start3A_418, %dma_start3A_419] : memref<1000000x128xf32, #tpu.memory_space<hbm>> -> memref<1000000x128xf32, #tpu.memory_space<hbm>>
        tpu.enqueue_indirect_dma source(%dma_start3A_420 : memref<1000000x128xf32, #tpu.memory_space<hbm>>) target(%arg18 : memref<64x128xf32, #tpu.memory_space<vmem>>) offsets(%dma_start3A_417 : memref<64xi32, #tpu.memory_space<vmem>>) semaphore(%arg25 : memref<!tpu.dma_semaphore, #tpu.memory_space<semaphore_mem>>)
        %add3A_421 = arith.constant 1 : i32
        %add3A_422 = arith.addi %mul3A_413, %add3A_421 : i32
        %dma_start3A_423 = tpu.memref_slice %arg8[%add3A_422, %mul3A_415] : memref<6x512xi32, #tpu.memory_space<vmem>> -> memref<1x64xi32, #tpu.memory_space<vmem>>
        %dma_start3A_424 = tpu.memref_squeeze %dma_start3A_423 : memref<1x64xi32, #tpu.memory_space<vmem>> -> memref<64xi32, #tpu.memory_space<vmem>>
        %dma_start3A_425 = arith.constant 0 : i32
        %dma_start3A_426 = arith.constant 0 : i32
        %dma_start3A_427 = tpu.memref_slice %arg5[%dma_start3A_425, %dma_start3A_426] : memref<100000x128xf32, #tpu.memory_space<hbm>> -> memref<100000x128xf32, #tpu.memory_space<hbm>>
        tpu.enqueue_indirect_dma source(%dma_start3A_427 : memref<100000x128xf32, #tpu.memory_space<hbm>>) target(%arg19 : memref<64x128xf32, #tpu.memory_space<vmem>>) offsets(%dma_start3A_424 : memref<64xi32, #tpu.memory_space<vmem>>) semaphore(%arg25 : memref<!tpu.dma_semaphore, #tpu.memory_space<semaphore_mem>>)
        %add3A_428 = arith.constant 2 : i32
        %add3A_429 = arith.addi %mul3A_413, %add3A_428 : i32
        %dma_start3A_430 = tpu.memref_slice %arg8[%add3A_429, %mul3A_415] : memref<6x512xi32, #tpu.memory_space<vmem>> -> memref<1x64xi32, #tpu.memory_space<vmem>>
        %dma_start3A_431 = tpu.memref_squeeze %dma_start3A_430 : memref<1x64xi32, #tpu.memory_space<vmem>> -> memref<64xi32, #tpu.memory_space<vmem>>
        %dma_start3A_432 = arith.constant 0 : i32
        %dma_start3A_433 = arith.constant 0 : i32
        %dma_start3A_434 = tpu.memref_slice %arg4[%dma_start3A_432, %dma_start3A_433] : memref<1000000x128xf32, #tpu.memory_space<hbm>> -> memref<1000000x128xf32, #tpu.memory_space<hbm>>
        tpu.enqueue_indirect_dma source(%dma_start3A_434 : memref<1000000x128xf32, #tpu.memory_space<hbm>>) target(%arg20 : memref<64x128xf32, #tpu.memory_space<vmem>>) offsets(%dma_start3A_431 : memref<64xi32, #tpu.memory_space<vmem>>) semaphore(%arg25 : memref<!tpu.dma_semaphore, #tpu.memory_space<semaphore_mem>>)
      } else {
      }
      %eq3A_385 = arith.constant 7 : i32
      %eq3A_386 = arith.cmpi eq, %add3A_349, %eq3A_385 : i32
      %convert_element_type3A_387 = arith.extui %eq3A_386 : i1 to i32
      %cond3A_388 = arith.constant 0 : i32
      %cond3A_389 = arith.cmpi ne, %convert_element_type3A_387, %cond3A_388 : i32
      scf.if %cond3A_389 {
        %dma_start3A_391 = arith.constant 0 : i32
        %dma_start3A_392 = tpu.memref_slice %arg21[%dma_start3A_391] : memref<1024xf32, #tpu.memory_space<vmem>> -> memref<512xf32, #tpu.memory_space<vmem>>
        %dma_start3A_393 = tpu.memref_slice %arg6[%mul3A_2] : memref<16384xf32, #tpu.memory_space<hbm>> -> memref<512xf32, #tpu.memory_space<hbm>>
        %dma_start3A_394 = tpu.memref_slice %arg6[%mul3A_2] : memref<16384xf32, #tpu.memory_space<hbm>> -> memref<512xf32, #tpu.memory_space<hbm>>
        %dma_start3A_395 = arith.constant 0 : i32
        %dma_start3A_396 = tpu.memref_slice %arg21[%dma_start3A_395] : memref<1024xf32, #tpu.memory_space<vmem>> -> memref<512xf32, #tpu.memory_space<vmem>>
        tpu.enqueue_dma source(%dma_start3A_396 : memref<512xf32, #tpu.memory_space<vmem>>) target(%dma_start3A_394 : memref<512xf32, #tpu.memory_space<hbm>>) target_semaphore(%arg26 : memref<!tpu.dma_semaphore, #tpu.memory_space<semaphore_mem>>)
      } else {
      }
      %scan3A_390 = arith.constant 0 : i32
      scf.yield %scan3A_390 : i32
    }
    %scan3A_210 = arith.constant 4 : i32
    "tpu.region"() ({
      %run_scoped3A = tpu.sem_alloc : memref<!tpu.dma_semaphore, #tpu.memory_space<semaphore_mem>>
      %dma_start3A_217 = arith.constant 512 : i32
      %dma_start3A_218 = tpu.memref_slice %arg21[%dma_start3A_217] : memref<1024xf32, #tpu.memory_space<vmem>> -> memref<512xf32, #tpu.memory_space<vmem>>
      %dma_start3A_219 = tpu.memref_slice %arg7[%mul3A_2] : memref<16384xf32, #tpu.memory_space<hbm>> -> memref<512xf32, #tpu.memory_space<hbm>>
      %dma_start3A_220 = tpu.memref_slice %arg7[%mul3A_2] : memref<16384xf32, #tpu.memory_space<hbm>> -> memref<512xf32, #tpu.memory_space<hbm>>
      %dma_start3A_221 = arith.constant 512 : i32
      %dma_start3A_222 = tpu.memref_slice %arg21[%dma_start3A_221] : memref<1024xf32, #tpu.memory_space<vmem>> -> memref<512xf32, #tpu.memory_space<vmem>>
      tpu.enqueue_dma source(%dma_start3A_222 : memref<512xf32, #tpu.memory_space<vmem>>) target(%dma_start3A_220 : memref<512xf32, #tpu.memory_space<hbm>>) target_semaphore(%run_scoped3A : memref<!tpu.dma_semaphore, #tpu.memory_space<semaphore_mem>>)
      %dma_wait3A_223 = arith.constant 512 : i32
      %dma_wait3A_224 = tpu.memref_slice %arg21[%dma_wait3A_223] : memref<1024xf32, #tpu.memory_space<vmem>> -> memref<512xf32, #tpu.memory_space<vmem>>
      %dma_wait3A_225 = tpu.memref_slice %arg7[%mul3A_2] : memref<16384xf32, #tpu.memory_space<hbm>> -> memref<512xf32, #tpu.memory_space<hbm>>
      %dma_wait3A_226 = tpu.memref_slice %arg7[%mul3A_2] : memref<16384xf32, #tpu.memory_space<hbm>> -> memref<512xf32, #tpu.memory_space<hbm>>
      %dma_wait3A_227 = arith.constant 512 : i32
      %dma_wait3A_228 = tpu.memref_slice %arg21[%dma_wait3A_227] : memref<1024xf32, #tpu.memory_space<vmem>> -> memref<512xf32, #tpu.memory_space<vmem>>
      tpu.wait_dma2 semaphore(%run_scoped3A : memref<!tpu.dma_semaphore, #tpu.memory_space<semaphore_mem>>) src(%dma_wait3A_228 : memref<512xf32, #tpu.memory_space<vmem>>) dst(%dma_wait3A_226 : memref<512xf32, #tpu.memory_space<hbm>>)
      tpu.yield
    }) : () -> ()
    %dma_wait3A_211 = arith.constant 0 : i32
    %dma_wait3A_212 = tpu.memref_slice %arg21[%dma_wait3A_211] : memref<1024xf32, #tpu.memory_space<vmem>> -> memref<512xf32, #tpu.memory_space<vmem>>
    %dma_wait3A_213 = tpu.memref_slice %arg6[%mul3A_2] : memref<16384xf32, #tpu.memory_space<hbm>> -> memref<512xf32, #tpu.memory_space<hbm>>
    %dma_wait3A_214 = tpu.memref_slice %arg6[%mul3A_2] : memref<16384xf32, #tpu.memory_space<hbm>> -> memref<512xf32, #tpu.memory_space<hbm>>
    %dma_wait3A_215 = arith.constant 0 : i32
    %dma_wait3A_216 = tpu.memref_slice %arg21[%dma_wait3A_215] : memref<1024xf32, #tpu.memory_space<vmem>> -> memref<512xf32, #tpu.memory_space<vmem>>
    tpu.wait_dma2 semaphore(%arg26 : memref<!tpu.dma_semaphore, #tpu.memory_space<semaphore_mem>>) src(%dma_wait3A_216 : memref<512xf32, #tpu.memory_space<vmem>>) dst(%dma_wait3A_214 : memref<512xf32, #tpu.memory_space<hbm>>)
    return
  }
}

</mosaic_0001>

<sc_bundles>
// kernel: kernel.3.cloned.1.call-start
scs
__scs_entry_jumppad:
0x0: {  	(pc) =	sbr.rel $0x88, $3  }
0x1: {  	(tag) =	ssettag $0x0;
	lr =	simm.s32 $0x1  }
0x2: {  	[smem:$0x3F9D] =	sst lr;
	_ =	strace $0xD0000000  }
0x3: {  	_ = 	snop  }
0x4: {  	_ = 	snop  }
0x5: {  	_ = 	snop  }
0x6: {  	_ = 	snop  }
0x7: {  	_ = 	snop  }
__scs_overlays_trampoline_lowered:
0x8: {  	[smem:$0x3FAC] =	sst s0  }
0x9: {  	[smem:$0x3FAD] =	sst s1  }
0xa: {  	[smem:$0x3FAE] =	sst s2  }
0xb: {  	[smem:$0x3FAF] =	sst s3  }
0xc: {  	[smem:$0x3FB0] =	sst s4  }
0xd: {  	[smem:$0x3FB1] =	sst s5  }
0xe: {  	[smem:$0x3FB2] =	sst s6  }
0xf: {  	[smem:$0x3FB3] =	sst s7  }
0x10: {  	[smem:$0x3FB4] =	sst s8  }
0x11: {  	[smem:$0x3FB5] =	sst s9;
	s0 =	simm.s32 @!p0 $0x0  }
0x12: {  	s1 =	sld [smem:$0x3F9B];
	s0 =	simm.s32 @p0 $0x1  }
0x13: {  	[smem:$0x3FB6] =	sst s0;
	s0 =	simm.s32 @!p1 $0x0  }
0x14: {  	s2 =	sld [smem:$0x3F9A];
	s0 =	simm.s32 @p1 $0x1  }
0x15: {  	[smem:$0x3FB7] =	sst s0;
	s0 =	simm.s32 @!p2 $0x0  }
0x16: {  	s3 =	sld [smem:$0x3FDB];
	s0 =	simm.s32 @p2 $0x1  }
0x17: {  	s4 =	simm.s32 $0x1BF5;
	[smem:$0x3FB9] =	sst s0  }
0x18: {  	s0 =	sld [smem:$0x3F9C];
	_ =	swait.ge [sflag:s4], $0x0  }
0x19: {  	s7 =	sld [smem:$0x3F9D]  }
0x1a: {  	s8 =	sadd.s32 $0xFFFFE003, lr  }
0x1b: {  	s9 =	sadd.s32 $0xFFFFFEF7, lr;
	s5 =	simm.s32 $0xFFFFFFFF;
	p2 =	slt.u32 s8, $0xFFFFF086  }
0x1c: {  	p1 =	slt.u32 s9, $0xF7A;
	s5 =	simm.s32 @!p2 $0x0  }
0x1d: {  	s5 =	simm.s32 @p1 $0x1;
	p0 =	seq.s32 s7, s2  }
0x1e: {  	s7 =	smul.u32 @!p0 $0xF7A, s2;
	p2 =	seq.s32 @!p0 s5, $0x0  }
0x1f: {  	s9 =	smul.u32 $0xF7A, s1;
	s8 =	simm.s32 @!p0 $0x1BF5;
	p2 =	por !p2, p0  }
0x20: {  	[sflag:s8] =	ssyncset.s32 @!p0 $0xFFFFF086;
	s6 =	sadd.s32 @!p0 s3, s7;
	s7 =	simm.s32 @!p0 $0x108  }
0x21: {  	s3 =	sadd.s32 s3, s9;
	s6 =	sadd.s32 @!p0 $0x88, s6;
	s7 =	simm.s32 @p2 $0x1082  }
0x22: {  	[simem:s7], [sflag:s8] =	dma.local @!p0 [hbm:s6], $0xF7A  }
0x23: {  	s9 =	sor.u32 $0xD0000000, s2;
	s6 =	simm.s32 $0x108;
	_ =	swait.ge @!p0 [sflag:s8], $0x0  }
0x24: {  	s3 =	sadd.s32 $0x88, s3;
	s6 =	simm.s32 @!p1 $0x1082;
	[sflag:s4] =	ssyncset.s32 $0xFFFFF086  }
0x25: {  	[simem:s6], [sflag:s4] =	dma.local [hbm:s3], $0xF7A  }
0x26: {  	[smem:$0x3F9D] =	sst s1;
	(tag) =	ssettag s2;
	_ =	strace s9  }
0x27: {  	s1 =	sld [smem:$0x3FAD]  }
0x28: {  	s2 =	sld [smem:$0x3FAE]  }
0x29: {  	s4 =	sld [smem:$0x3FB0]  }
0x2a: {  	p0 =	seq.s32 s5, $0x0;
	s5 =	sld [smem:$0x3FB1]  }
0x2b: {  	s6 =	sld [smem:$0x3FB2]  }
0x2c: {  	s7 =	sld [smem:$0x3FB3]  }
0x2d: {  	s3 =	simm.s32 $0x108;
	s8 =	sld [smem:$0x3FB4]  }
0x2e: {  	s3 =	simm.s32 @!p0 $0x1082;
	s9 =	sld [smem:$0x3FB5]  }
0x2f: {  	lr =	sadd.s32 s0, s3;
	s0 =	sld [smem:$0x3FAC]  }
0x30: {  	s3 =	sld [smem:$0x3FAF]  }
0x31: {  	[smem:$0x3FB8] =	sst s10  }
0x32: {  	s10 =	sld [smem:$0x3FB6];
	_ =	sdelay $0x3  }
0x33: {  	p0 =	seq.s32 s10, $0x1;
	s10 =	sld [smem:$0x3FB8];
	_ =	sdelay $0x3  }
0x34: {  	[smem:$0x3FB8] =	sst s10  }
0x35: {  	s10 =	sld [smem:$0x3FB7];
	_ =	sdelay $0x3  }
0x36: {  	p1 =	seq.s32 s10, $0x1;
	s10 =	sld [smem:$0x3FB8];
	_ =	sdelay $0x3  }
0x37: {  	[smem:$0x3FB8] =	sst s10  }
0x38: {  	s10 =	sld [smem:$0x3FB9]  }
0x39: {  	_ = 	snop;
	(pc) =	sbr.ind lr, $3  }
0x3a: {  	_ = 	snop  }
0x3b: {  	_ = 	snop  }
0x3c: {  	p2 =	seq.s32 s10, $0x1;
	s10 =	sld [smem:$0x3FB8]  }
0x3d: {  	_ =	shalt  }
0x3e: {  	_ =	shalt  }
0x3f: {  	_ =	shalt  }
0x40: {  	_ =	shalt  }
0x41: {  	_ =	shalt  }
0x42: {  	_ =	shalt  }
0x43: {  	_ =	shalt  }
0x44: {  	_ =	shalt  }
0x45: {  	_ =	shalt  }
0x46: {  	_ =	shalt  }
0x47: {  	_ =	shalt  }
0x48: {  	_ =	shalt  }
0x49: {  	_ =	shalt  }
0x4a: {  	_ =	shalt  }
0x4b: {  	_ =	shalt  }
0x4c: {  	_ =	shalt  }
0x4d: {  	_ =	shalt  }
0x4e: {  	_ =	shalt  }
0x4f: {  	_ =	shalt  }
0x50: {  	_ =	shalt  }
0x51: {  	_ =	shalt  }
0x52: {  	_ =	shalt  }
0x53: {  	_ =	shalt  }
0x54: {  	_ =	shalt  }
0x55: {  	_ =	shalt  }
0x56: {  	_ =	shalt  }
0x57: {  	_ =	shalt  }
0x58: {  	_ =	shalt  }
0x59: {  	_ =	shalt  }
0x5a: {  	_ =	shalt  }
0x5b: {  	_ =	shalt  }
0x5c: {  	_ =	shalt  }
0x5d: {  	_ =	shalt  }
0x5e: {  	_ =	shalt  }
0x5f: {  	_ =	shalt  }
0x60: {  	_ =	shalt  }
0x61: {  	_ =	shalt  }
0x62: {  	_ =	shalt  }
0x63: {  	_ =	shalt  }
0x64: {  	_ =	shalt  }
0x65: {  	_ =	shalt  }
0x66: {  	_ =	shalt  }
0x67: {  	_ =	shalt  }
0x68: {  	_ =	shalt  }
0x69: {  	_ =	shalt  }
0x6a: {  	_ =	shalt  }
0x6b: {  	_ =	shalt  }
0x6c: {  	_ =	shalt  }
0x6d: {  	_ =	shalt  }
0x6e: {  	_ =	shalt  }
0x6f: {  	_ =	shalt  }
0x70: {  	_ =	shalt  }
0x71: {  	_ =	shalt  }
0x72: {  	_ =	shalt  }
0x73: {  	_ =	shalt  }
0x74: {  	_ =	shalt  }
0x75: {  	_ =	shalt  }
0x76: {  	_ =	shalt  }
0x77: {  	_ =	shalt  }
0x78: {  	_ =	shalt  }
0x79: {  	_ =	shalt  }
0x7a: {  	_ =	shalt  }
0x7b: {  	_ =	shalt  }
0x7c: {  	_ =	shalt  }
0x7d: {  	_ =	shalt  }
0x7e: {  	_ =	shalt  }
0x7f: {  	_ =	shalt  }
0x80: {  	_ =	shalt  }
0x81: {  	_ =	shalt  }
0x82: {  	_ =	shalt  }
0x83: {  	_ =	shalt  }
0x84: {  	_ =	shalt  }
0x85: {  	_ =	shalt  }
0x86: {  	_ =	shalt  }
0x87: {  	_ =	shalt  }
.Lfunc_end0:
.L_simem_size_0:
called_computation_lowered:
.L_overlay_start_0:
0x88: {  	s2 =	sld [smem:$0x3FD9]  }
0x89: {  	s3 =	sld [smem:$0x3FFE];
	_ =	sdelay $0x1  }
0x8a: {  	s1 =	srdreg.scid  }
0x8b: {  	s0 =	sand.u32 $0x1, s1  }
0x8c: {  	s14 =	sshll.u32 s0, $0xA;
	s2 =	sadd.s32 s3, s2  }
0x8d: {  	s2 =	sadd.s32 s2, s14  }
0x8e: {  	[smem:$0x3FC4] =	sst s2  }
0x8f: {  	_ = 	snop  }
0x90: {  	s2 =	sld [smem:$0x3FD0];
	_ =	sdelay $0x1  }
0x91: {  	s15 =	sld [smem:$0x3FC7]  }
0x92: {  	s5 =	simm.s32 $0xA;
	s6 =	simm.s32 $0x10;
	s4 =	sld [smem:$0x3FC6]  }
0x93: {  	[smem:s6], [sflag:s5] =	dma.local [hbm:s2], $0x1  }
0x94: {  	_ =	swait.eq [sflag:s5], $0x1  }
0x95: {  	[sflag:s5] =	ssyncset.done $0x0  }
0x96: {  	s16 =	sld [smem:$0x10];
	[sflag:s5] =	ssyncadd.s32 $0xFFFFFFFF  }
0x97: {  	s17 =	sld [smem:$0x11];
	(tm) =	ssettm $0x1  }
0x98: {  	s18 =	sld [smem:$0x3FFB];
	_ =	sdelay $0x3  }
0x99: {  	_ =	strace s18  }
0x9a: {  	s6 =	sld [smem:$0x3FFC];
	_ =	sdelay $0x3  }
0x9b: {  	_ =	strace s6  }
0x9c: {  	s6 =	sld [smem:$0x3FFD];
	_ =	sdelay $0x3  }
0x9d: {  	_ =	strace s6  }
0x9e: {  	_ =	strace $0x8FFFFFFF  }
0x9f: {  	s19 =	sld [smem:$0x3FDB];
	_ =	sdelay $0x1  }
0xa0: {  	s7 =	simm.s32 $_scs_section_size  }
0xa1: {  	s8 =	simm.s32 $_size__tile_overlayer_lowered;
	s9 =	simm.s32 $_tile_overlayer_lowered  }
0xa2: {  	s22 =	simm.s32 $0x1BFF;
	s21 =	sshll.u32 s9, $0x1;
	s6 =	sadd.s32 s7, s19  }
0xa3: {  	s10 =	simm.s32 $0x0;
	s20 =	sshll.u32 s8, $0x1;
	s8 =	sadd.s32 s21, s6  }
0xa4: {  	[timem:s10], [sflag:s22] =	dma.local [hbm:s8], s20  }
0xa5: {  	_ =	swait.ge [sflag:s22], s20  }
0xa6: {  	s7 =	ssub.s32 $0x0, s20;
	[sflag:s22] =	ssyncset.done $0x0  }
0xa7: {  	[sflag:s22] =	ssyncadd.s32 s7;
	_ =	sdelay $0x1  }
0xa8: {  	s23 =	simm.s32 $0x1B8B  }
0xa9: {  	_ =	swait.ge [sflag:s23], $0x1  }
0xaa: {  	[sflag:s23] =	ssyncset.done $0x0  }
0xab: {  	s25 =	simm.s32 $0x1B8E;
	s24 =	sld [smem:$0x3FFE];
	[sflag:s23] =	ssyncadd.s32 $0xFFFFFFFF  }
0xac: {  	s26 =	simm.s32 $execute0_lowered;
	[smem:$0x3FD2] =	sst s25  }
0xad: {  	s8 =	sshll.u32 s26, $0x1;
	_ =	strace $0x80000046;
	[dreg:$0x1] =	wrdreg $0xFFFFFFFF  }
0xae: {  	s28 =	simm.s32 $_size_execute0_lowered;
	s6 =	sadd.s32 s6, s8;
	[dreg:$0x0] =	wrdreg $0x0  }
0xaf: {  	s8 =	sshll.u32 s28, $0x1;
	[dreg:$0x2] =	wrdreg s6  }
0xb0: {  	[dreg:$0x3] =	wrdreg s8  }
0xb1: {  	[dreg:$0x4] =	wrdreg $0xC0  }
0xb2: {  	_ =	task [dreg:s10], $0x5FFFF  }
0xb3: {  	[dreg:$0x1] =	wrdreg $0xFFFFFFFF  }
0xb4: {  	[dreg:$0x0] =	wrdreg $0x60  }
0xb5: {  	[dreg:$0x2] =	wrdreg s24  }
0xb6: {  	[dreg:$0x3] =	wrdreg s15  }
0xb7: {  	[dreg:$0x4] =	wrdreg s4  }
0xb8: {  	[dreg:$0x5] =	wrdreg s16  }
0xb9: {  	[dreg:$0x6] =	wrdreg s17  }
0xba: {  	[dreg:$0x7] =	wrdreg $0x9  }
0xbb: {  	_ =	task.clear_ibuf [dreg:s10], $0x8FFFF;
	_ =	strace $0x90000046  }
0xbc: {  	s29 =	simm.s32 $0x9;
	_ =	strace $0x80000048  }
0xbd: {  	_ =	swait.ge [sflag:s29], $0x1  }
0xbe: {  	[sflag:s29] =	ssyncadd.s32 $0xFFFFFFFF  }
0xbf: {  	_ =	strace $0x90000048  }
0xc0: {  	_ =	sfence  }
0xc1: {  	s30 =	sld [smem:$0x0];
	_ =	sdelay $0x2  }
0xc2: {  	s31 =	sshll.u32 s1, $0xD;
	s1 =	sshrl.u32 s1, $0x2  }
0xc3: {  	s3 =	sand.u32 $0x4000, s31;
	s1 =	sadd.s32 s1, s30  }
0xc4: {  	s0 =	sor.u32 s3, s0;
	s1 =	sshll.u32 s1, $0x11  }
0xc5: {  	s0 =	sor.u32 s1, s0  }
0xc6: {  	s0 =	sadd.s32 $0x8F2B, s0  }
0xc7: {  	[sflag:s0] =	ssyncadd.remote.s32 $0x1  }
0xc8: {  	_ =	sfence.sel $0xFFFF  }
0xc9: {  	[dreg:$0x0] =	wrdreg $0xFFFFFFFF;
	(pc) =	sbr.abs _section_cstart, $3  }
0xca: {  	[dreg:$0x1] =	wrdreg $0xFFFFFFFF  }
0xcb: {  	_ =	task.clear_ibuf [dreg:s10], $0x2FFFF;
	_ =	strace $0x9FFFFFFF  }
0xcc: {  	(tm) =	ssettm $0x7FFFFFFF  }
0xcd: {  	_ =	shalt  }
tec
execute0_lowered:
.L_overlay_start_1:
0x0: {  	(tag) =	ssettag $0x1  }
0x1: {  	s0 =	rddreg [dreg:$0x0]  }
0x2: {  	s1 =	rddreg [dreg:$0x1]  }
0x3: {  	s2 =	rddreg [dreg:$0x2]  }
0x4: {  	s4 =	rddreg [dreg:$0x3]  }
0x5: {  	s5 =	rddreg [dreg:$0x4];
	s3 =	simm.s32 $0x0  }
0x6: {  	s6 =	srdreg.scid;
	s10 =	stileid.u32;
	s19 =	simm.s32 $0x5  }
0x7: {  	s20 =	simm.s32 $0x40;
	s21 =	simm.s32 $0x12C00;
	s23 =	simm.s32 $0x14C00  }
0x8: {  	s28 =	simm.s32 $0x2;
	s29 =	simm.s32 $0x3;
	s30 =	simm.s32 $0x4  }
0x9: {  	[smem:$0x7FF] =	sst s3;
	s6 =	sand.u32 $0x1, s6;
	s7 =	sadd.s32 $0x800, s0  }
0xa: {  	s10 =	sshll.u32 s10, $0x7;
	s8 =	ssub.s32 $0x2, s6;
	s6 =	sshll.u32 s6, $0x6  }
0xb: {  	s0 =	sadd.s32 $0x2000, s0;
	s9 =	sshrl.u32 s8, $0x1;
	s6 =	sor.u32 s6, s10  }
0xc: {  	_ =	strace $0x80000047;
	s8 =	ssub.s32 s8, s9;
	s24 =	sadd.s32 s7, s6  }
0xd: {  	s25 =	sor.u32 $0x800, s6;
	s26 =	sadd.s32 s0, s6;
	[dreg:$0x6] =	wrdreg s24  }
0xe: {  	s10 =	sor.u32 $0x1000, s6;
	s11 =	sadd.s32 s7, s25;
	[dreg:$0x9] =	wrdreg s26  }
.Ltmp0:
0xf: {  	s7 =	sadd.s32 s7, s10;
	[dreg:$0x7] =	wrdreg s11;
	(pc) =	sbr.rel .LBB2_1-.Ltmp0, $4  }
0x10: {  	s12 =	sadd.s32 s5, s6;
	s31 =	sadd.s32 s0, s25;
	[dreg:$0x8] =	wrdreg s7  }
0x11: {  	s0 =	sadd.s32 s0, s10;
	s13 =	smax.u32 s8, $0x1;
	[dreg:$0xa] =	wrdreg s31  }
0x12: {  	s25 =	simm.s32 $0x16C00;
	s26 =	simm.s32 $0x1;
	[dreg:$0xb] =	wrdreg s0  }
0x13: {  	v0 =	vlaneseq.u32;
	s11 =	sadd.s32 s4, s6;
	s0 =	simm.s32 $0x6;
	s4 =	simm.s32 $0x0  }
.LBB2_20:
0x14: {  	s5 =	simm.s32 $0x18E00;
	s4 =	sadd.s32 $0x1, s4  }
0x15: {  	[hbm4b:s12+s3] =	stream.linear.scatter [tilespmem:s5], [sflag:$0x6], $0x200, $0x38;
	[tilespmem:$0x19000] =	vst v63  }
0x16: {  	p0 =	sne.s32 s4, s13;
	_ =	swait.ge [sflag:s0], $0x200  }
.Ltmp1:
0x17: {  	[sflag:s0] =	ssyncset.done $0x0;
	(pc) =	sbr.rel @!p0 .LBB2_21-.Ltmp1, $4  }
0x18: {  	[sflag:s0] =	ssyncadd.s32 $0xFFFFFE00  }
0x19: {  	_ =	swait.ge [sflag:s19], $0x200  }
0x1a: {  	[sflag:s19] =	ssyncset.done $0x0  }
0x1b: {  	[sflag:s19] =	ssyncadd.s32 $0xFFFFFE00  }
.LBB2_1:
0x1c: {  	s5 =	rddreg [dreg:$0x6]  }
0x1d: {  	[tilespmem:s3], [sflag:$0x5] =	stream.linear.gather [hbm4b:s5+s3], $0x200, $0x38;
	[tilespmem:$0x19000] =	vst v63  }
0x1e: {  	s8 =	rddreg [dreg:$0x7];
	s6 =	simm.s32 $0x200  }
0x1f: {  	[tilespmem:s6], [sflag:$0x5] =	stream.linear.gather [hbm4b:s8+s3], $0x200, $0x38;
	[tilespmem:$0x19000] =	vst v63  }
0x20: {  	s9 =	rddreg [dreg:$0x8];
	s7 =	simm.s32 $0x400  }
0x21: {  	[tilespmem:s7], [sflag:$0x5] =	stream.linear.gather [hbm4b:s9+s3], $0x200, $0x38;
	[tilespmem:$0x19000] =	vst v63  }
0x22: {  	s10 =	rddreg [dreg:$0x9];
	s8 =	simm.s32 $0x600  }
0x23: {  	[tilespmem:s8], [sflag:$0x5] =	stream.linear.gather [hbm4b:s10+s3], $0x200, $0x38;
	[tilespmem:$0x19000] =	vst v63  }
0x24: {  	s14 =	rddreg [dreg:$0xa];
	s15 =	simm.s32 $0x800  }
0x25: {  	[tilespmem:s15], [sflag:$0x5] =	stream.linear.gather [hbm4b:s14+s3], $0x200, $0x38;
	[tilespmem:$0x19000] =	vst v63  }
0x26: {  	s16 =	rddreg [dreg:$0xb];
	s17 =	simm.s32 $0xA00  }
0x27: {  	[tilespmem:s17], [sflag:$0x5] =	stream.linear.gather [hbm4b:s16+s3], $0x200, $0x38;
	[tilespmem:$0x19000] =	vst v63  }
0x28: {  	_ =	swait.ge [sflag:s19], $0x200  }
0x29: {  	[sflag:s19] =	ssyncset.done $0x0  }
0x2a: {  	[sflag:s19] =	ssyncadd.s32 $0xFFFFFE00  }
0x2b: {  	_ =	swait.ge [sflag:s19], $0x200  }
0x2c: {  	[sflag:s19] =	ssyncset.done $0x0  }
0x2d: {  	[sflag:s19] =	ssyncadd.s32 $0xFFFFFE00  }
0x2e: {  	_ =	swait.ge [sflag:s19], $0x200  }
0x2f: {  	[sflag:s19] =	ssyncset.done $0x0  }
0x30: {  	[sflag:s19] =	ssyncadd.s32 $0xFFFFFE00  }
0x31: {  	_ =	swait.ge [sflag:s19], $0x200  }
0x32: {  	[sflag:s19] =	ssyncset.done $0x0  }
0x33: {  	[sflag:s19] =	ssyncadd.s32 $0xFFFFFE00  }
0x34: {  	_ =	swait.ge [sflag:s19], $0x200  }
0x35: {  	[sflag:s19] =	ssyncset.done $0x0  }
0x36: {  	[sflag:s19] =	ssyncadd.s32 $0xFFFFFE00  }
0x37: {  	_ =	swait.ge [sflag:s19], $0x200  }
0x38: {  	[sflag:s19] =	ssyncset.done $0x0  }
0x39: {  	s18 =	simm.s32 $0xC00;
	[sflag:s19] =	ssyncadd.s32 $0xFFFFFE00  }
0x3a: {  	[tilespmem:s18], [sflag:$0x1] =	stream.indirect.gather [hbm4b:s1+s20], $0x80, s3, s20, $0xb8;
	[tilespmem:$0x19000] =	vst v63  }
0x3b: {  	s22 =	simm.s32 $0x2C00  }
0x3c: {  	[tilespmem:s22], [sflag:$0x1] =	stream.indirect.gather [hbm4b:s2+s20], $0x80, s6, s20, $0xb8;
	[tilespmem:$0x19000] =	vst v63  }
0x3d: {  	s24 =	simm.s32 $0x4C00  }
0x3e: {  	[tilespmem:s24], [sflag:$0x1] =	stream.indirect.gather [hbm4b:s1+s20], $0x80, s7, s20, $0xb8;
	[tilespmem:$0x19000] =	vst v63  }
0x3f: {  	s31 =	simm.s32 $0x6C00  }
0x40: {  	[tilespmem:s31], [sflag:$0x2] =	stream.indirect.gather [hbm4b:s1+s20], $0x80, s20, s20, $0xb8;
	[tilespmem:$0x19000] =	vst v63  }
0x41: {  	s6 =	simm.s32 $0x240;
	s7 =	simm.s32 $0x8C00  }
0x42: {  	[tilespmem:s7], [sflag:$0x2] =	stream.indirect.gather [hbm4b:s2+s20], $0x80, s6, s20, $0xb8;
	[tilespmem:$0x19000] =	vst v63  }
0x43: {  	s9 =	simm.s32 $0xAC00;
	s8 =	simm.s32 $0x440  }
0x44: {  	[tilespmem:s9], [sflag:$0x2] =	stream.indirect.gather [hbm4b:s1+s20], $0x80, s8, s20, $0xb8;
	[tilespmem:$0x19000] =	vst v63  }
0x45: {  	s10 =	simm.s32 $0x80;
	s14 =	simm.s32 $0xCC00  }
0x46: {  	[tilespmem:s14], [sflag:$0x3] =	stream.indirect.gather [hbm4b:s1+s20], $0x80, s10, s20, $0xb8;
	[tilespmem:$0x19000] =	vst v63  }
0x47: {  	s15 =	simm.s32 $0x280;
	s16 =	simm.s32 $0xEC00  }
0x48: {  	[tilespmem:s16], [sflag:$0x3] =	stream.indirect.gather [hbm4b:s2+s20], $0x80, s15, s20, $0xb8;
	[tilespmem:$0x19000] =	vst v63  }
0x49: {  	s17 =	simm.s32 $0x480;
	s18 =	simm.s32 $0x10C00  }
0x4a: {  	[tilespmem:s18], [sflag:$0x3] =	stream.indirect.gather [hbm4b:s1+s20], $0x80, s17, s20, $0xb8;
	[tilespmem:$0x19000] =	vst v63  }
0x4b: {  	s22 =	simm.s32 $0xC0  }
0x4c: {  	[tilespmem:s21], [sflag:$0x4] =	stream.indirect.gather [hbm4b:s1+s20], $0x80, s22, s20, $0xb8;
	[tilespmem:$0x19000] =	vst v63  }
0x4d: {  	s24 =	simm.s32 $0x2C0  }
0x4e: {  	[tilespmem:s23], [sflag:$0x4] =	stream.indirect.gather [hbm4b:s2+s20], $0x80, s24, s20, $0xb8;
	[tilespmem:$0x19000] =	vst v63  }
0x4f: {  	s31 =	simm.s32 $0x4C0;
	s16 =	simm.s32 $0x0  }
0x50: {  	[tilespmem:s25], [sflag:$0x4] =	stream.indirect.gather [hbm4b:s1+s20], $0x80, s31, s20, $0xb8;
	[tilespmem:$0x19000] =	vst v63  }
.LBB2_2:
0x51: {  	_ =	swait.ge [sflag:s26], $0x2000  }
0x52: {  	[sflag:s26] =	ssyncset.done $0x0  }
0x53: {  	[sflag:s26] =	ssyncadd.s32 $0xFFFFE000  }
0x54: {  	_ =	swait.ge [sflag:s26], $0x2000  }
0x55: {  	[sflag:s26] =	ssyncset.done $0x0  }
0x56: {  	s5 =	sshll.u32 s16, $0x8;
	[sflag:s26] =	ssyncadd.s32 $0xFFFFE000  }
0x57: {  	s17 =	simm.s32 $0x0;
	s18 =	sand.u32 $0x3FFFFF00, s5;
	_ =	swait.ge [sflag:s26], $0x2000  }
0x58: {  	s22 =	simm.s32 $0xC40;
	s5 =	sadd.s32 $0x18C00, s18;
	[sflag:s26] =	ssyncset.done $0x0  }
0x59: {  	s24 =	simm.s32 $0x2C40;
	s31 =	simm.s32 $0x4C40;
	v1 =	vmov s5;
	[sflag:s26] =	ssyncadd.s32 $0xFFFFE000  }
.LBB2_3:
0x5a: {  	v5 =	vld [tilespmem:s31+$0xFFFFFFC0]  }
0x5b: {  	v7 =	vld [tilespmem:s31+$0xFFFFFFD0]  }
0x5c: {  	v8 =	vld [tilespmem:s31+$0xFFFFFFE0]  }
0x5d: {  	v9 =	vld [tilespmem:s31+$0xFFFFFFF0]  }
0x5e: {  	v10 =	vld [tilespmem:s22+$0xFFFFFFC0]  }
0x5f: {  	v11 =	vld [tilespmem:s24+$0xFFFFFFC0]  }
0x60: {  	v12 =	vld [tilespmem:s22+$0xFFFFFFD0]  }
0x61: {  	v13 =	vld [tilespmem:s24+$0xFFFFFFD0]  }
0x62: {  	v14 =	vld [tilespmem:s22+$0xFFFFFFE0]  }
0x63: {  	v15 =	vld [tilespmem:s24+$0xFFFFFFE0]  }
0x64: {  	v16 =	vld [tilespmem:s22+$0xFFFFFFF0]  }
0x65: {  	v17 =	vld [tilespmem:s24+$0xFFFFFFF0]  }
0x66: {  	v18 =	vld [tilespmem:s22+$0x0]  }
0x67: {  	v19 =	vld [tilespmem:s24+$0x0]  }
0x68: {  	v20 =	vld [tilespmem:s22+$0x10]  }
0x69: {  	v21 =	vld [tilespmem:s24+$0x10]  }
0x6a: {  	v22 =	vld [tilespmem:s22+$0x20]  }
0x6b: {  	v23 =	vld [tilespmem:s24+$0x20]  }
0x6c: {  	v24 =	vld [tilespmem:s22+$0x30]  }
0x6d: {  	v25 =	vld [tilespmem:s24+$0x30]  }
0x6e: {  	v26 =	vld [tilespmem:s31+$0x0]  }
0x6f: {  	v27 =	vld [tilespmem:s31+$0x10];
	v10 =	vadd.f32 v11, v10;
	v11 =	vadd.f32 v13, v12  }
0x70: {  	v28 =	vld [tilespmem:s31+$0x20];
	v12 =	vadd.f32 v15, v14;
	v13 =	vadd.f32 v17, v16  }
0x71: {  	s14 =	sadd.s32 $0x80, s31;
	v29 =	vld [tilespmem:s31+$0x30];
	v15 =	vadd.f32 v19, v18;
	v16 =	vadd.f32 v21, v20  }
0x72: {  	v6 =	vld [tilespmem:s14+$0xFFFFFFC0];
	v18 =	vadd.f32 v23, v22;
	v19 =	vadd.f32 v25, v24  }
0x73: {  	v2 =	vld [tilespmem:s14+$0xFFFFFFD0];
	v5 =	vsub.f32 v10, v5;
	v7 =	vsub.f32 v11, v7  }
0x74: {  	v4 =	vld [tilespmem:s14+$0xFFFFFFE0];
	v8 =	vsub.f32 v12, v8;
	v9 =	vsub.f32 v13, v9  }
0x75: {  	s15 =	sadd.s32 $0x80, s22;
	v3 =	vld [tilespmem:s14+$0xFFFFFFF0];
	v11 =	vsub.f32 v15, v26;
	v12 =	vsub.f32 v16, v27  }
0x76: {  	v30 =	vld [tilespmem:s15+$0xFFFFFFC0];
	v13 =	vsub.f32 v18, v28;
	v5 =	vmul.f32 v5, v5;
	v15 =	vmul.f32 v7, v7  }
0x77: {  	s5 =	sadd.s32 $0x80, s24;
	v61 =	vld [tilespmem:s15+$0x0];
	v8 =	vmul.f32 v8, v8;
	v9 =	vmul.f32 v9, v9;
	v7 =	vsub.f32 v19, v29  }
0x78: {  	v62 =	vld [tilespmem:s5+$0x0];
	v11 =	vmul.f32 v11, v11;
	v12 =	vmul.f32 v12, v12  }
0x79: {  	v14 =	vld [tilespmem:s5+$0xFFFFFFC0];
	v13 =	vmul.f32 v13, v13;
	v18 =	vmul.f32 v7, v7  }
0x7a: {  	v17 =	vld [tilespmem:s15+$0xFFFFFFD0];
	v5 =	vadd.f32 v15, v5;
	v8 =	vadd.f32 v9, v8  }
0x7b: {  	v21 =	vld [tilespmem:s15+$0xFFFFFFE0];
	v12 =	vadd.f32 v12, v11;
	v15 =	vadd.f32 v18, v13  }
0x7c: {  	v22 =	vld [tilespmem:s5+$0xFFFFFFE0]  }
0x7d: {  	v23 =	vld [tilespmem:s5+$0xFFFFFFF0];
	v5 =	vadd.f32 v8, v5;
	v8 =	vadd.f32 v15, v12  }
0x7e: {  	v10 =	vld [tilespmem:s5+$0xFFFFFFD0]  }
0x7f: {  	v16 =	vld [tilespmem:s15+$0xFFFFFFF0];
	v63 =	vadd.f32 v8, v5  }
0x80: {  	v7 =	vld [tilespmem:s15+$0x10]  }
0x81: {  	v9 =	vld [tilespmem:s5+$0x10];
	(xrf2) =	vadd.scan.msk.f32 $0xffff, v63  }
0x82: {  	v11 =	vld [tilespmem:s15+$0x20]  }
0x83: {  	v13 =	vld [tilespmem:s5+$0x20]  }
0x84: {  	v12 =	vld [tilespmem:s15+$0x30]  }
0x85: {  	v15 =	vld [tilespmem:s5+$0x30]  }
0x86: {  	v20 =	vadd.f32 v14, v30;
	v14 =	vld [tilespmem:s14+$0x20]  }
0x87: {  	s6 =	simm.s32 $0x1;
	v19 =	vadd.f32 v10, v17;
	v16 =	vadd.f32 v23, v16;
	v8 =	vld [tilespmem:s14+$0x0]  }
0x88: {  	s9 =	simm.s32 $0x2;
	s7 =	simm.s32 $0x0;
	s8 =	sadd.s32 $0x80, s14;
	v10 =	vld [tilespmem:s14+$0x10];
	v17 =	vadd.f32 v62, v61;
	v18 =	vadd.f32 v22, v21;
	v5 =	vimm.f32 $0.0e+00  }
.LBB2_4:
0x89: {  	v21 =	vld [tilespmem:s8+$0xFFFFFFC0];
	p0 =	sne.s32 s9, $0xF;
	v7 =	vadd.f32 v9, v7;
	v9 =	vadd.f32 v13, v11  }
0x8a: {  	v6 =	vsub.f32 v20, v6;
	v11 =	vadd.f32 v15, v12;
	v12 =	vld [tilespmem:s14+$0x30];
	s14 =	smov.u32 s8  }
0x8b: {  	v13 =	vsub.f32 v19, v2;
	v15 =	vsub.f32 v18, v4;
	v18 =	vmov s7;
	s7 =	smov.u32 s6;
	s6 =	smov.u32 s9;
	v2 =	vld [tilespmem:s8+$0xFFFFFFD0];
	v19, _, _ =	vpop (xrf2)  }
0x8c: {  	v16 =	vsub.f32 v16, v3;
	v8 =	vsub.f32 v17, v8;
	v4 =	vld [tilespmem:s8+$0xFFFFFFE0];
	v17 =	vbroadcast v19, $0xF  }
0x8d: {  	s15 =	sadd.s32 $0x80, s15;
	vm0 =	veq.s32 v18, v0;
	v7 =	vsub.f32 v7, v10;
	v3 =	vld [tilespmem:s8+$0xFFFFFFF0];
	v9 =	vsub.f32 v9, v14  }
0x8e: {  	s5 =	sadd.s32 $0x80, s5;
	v13 =	vmul.f32 v13, v13;
	v14 =	vmul.f32 v6, v6;
	v10 =	vld [tilespmem:s15+$0xFFFFFFC0];
	v5 =	vsel vm0, v17, v5;
	v6 =	vmovc v21  }
0x8f: {  	v15 =	vmul.f32 v15, v15;
	v16 =	vmul.f32 v16, v16;
	v17 =	vld [tilespmem:s5+$0xFFFFFFC0];
	v11 =	vsub.f32 v11, v12  }
0x90: {  	v8 =	vmul.f32 v8, v8;
	v7 =	vmul.f32 v7, v7;
	v18 =	vld [tilespmem:s15+$0xFFFFFFD0]  }
0x91: {  	v9 =	vmul.f32 v9, v9;
	v19 =	vld [tilespmem:s5+$0xFFFFFFD0];
	v11 =	vmul.f32 v11, v11  }
0x92: {  	v12 =	vadd.f32 v13, v14;
	v13 =	vadd.f32 v16, v15;
	v21 =	vld [tilespmem:s15+$0xFFFFFFE0]  }
0x93: {  	v7 =	vadd.f32 v7, v8;
	v14 =	vld [tilespmem:s5+$0xFFFFFFE0];
	v8 =	vadd.f32 v11, v9  }
0x94: {  	v16 =	vld [tilespmem:s15+$0xFFFFFFF0]  }
0x95: {  	v9 =	vadd.f32 v13, v12;
	v22 =	vld [tilespmem:s5+$0xFFFFFFF0];
	v7 =	vadd.f32 v8, v7  }
0x96: {  	v23 =	vld [tilespmem:s15+$0x0]  }
0x97: {  	v24 =	vld [tilespmem:s5+$0x0];
	v8 =	vadd.f32 v7, v9  }
0x98: {  	v7 =	vld [tilespmem:s15+$0x10]  }
0x99: {  	v9 =	vld [tilespmem:s5+$0x10];
	(xrf2) =	vadd.scan.msk.f32 $0xffff, v8  }
0x9a: {  	v11 =	vld [tilespmem:s15+$0x20]  }
0x9b: {  	v13 =	vld [tilespmem:s5+$0x20]  }
.Ltmp2:
0x9c: {  	v12 =	vld [tilespmem:s15+$0x30];
	(pc) =	sbr.rel @p0 .LBB2_4-.Ltmp2, $4  }
0x9d: {  	v15 =	vld [tilespmem:s5+$0x30]  }
0x9e: {  	v20 =	vadd.f32 v17, v10;
	v8 =	vld [tilespmem:s8+$0x0]  }
0x9f: {  	v19 =	vadd.f32 v19, v18;
	v18 =	vadd.f32 v14, v21;
	v10 =	vld [tilespmem:s8+$0x10]  }
0xa0: {  	s9 =	sadd.s32 $0x1, s9;
	v16 =	vadd.f32 v22, v16;
	v17 =	vadd.f32 v24, v23;
	s8 =	sadd.s32 $0x80, s8;
	v14 =	vld [tilespmem:s14+$0x20]  }
0xa1: {  	v7 =	vadd.f32 v9, v7;
	v56 =	vadd.f32 v13, v11;
	v57 =	vld [tilespmem:s14+$0x30]  }
0xa2: {  	v6 =	vsub.f32 v20, v6;
	v2 =	vsub.f32 v19, v2  }
0xa3: {  	v4 =	vsub.f32 v18, v4;
	v12 =	vadd.f32 v15, v12  }
0xa4: {  	v3 =	vsub.f32 v16, v3;
	v8 =	vsub.f32 v17, v8;
	v6 =	vmul.f32 v6, v6  }
0xa5: {  	v2 =	vmul.f32 v2, v2;
	v4 =	vmul.f32 v4, v4;
	v7 =	vsub.f32 v7, v10  }
0xa6: {  	v3 =	vmul.f32 v3, v3;
	v9 =	vsub.f32 v56, v14;
	v58 =	vsub.f32 v12, v57  }
0xa7: {  	v8 =	vmul.f32 v8, v8;
	v7 =	vmul.f32 v7, v7  }
0xa8: {  	v9 =	vmul.f32 v9, v9;
	v10 =	vmul.f32 v58, v58  }
0xa9: {  	v2 =	vadd.f32 v2, v6;
	v3 =	vadd.f32 v3, v4  }
0xaa: {  	v59 =	vadd.f32 v7, v8;
	v60 =	vadd.f32 v10, v9;
	_ =	sdelay $0x1  }
0xab: {  	v2 =	vadd.f32 v3, v2;
	v3 =	vadd.f32 v60, v59;
	_ =	sdelay $0x1  }
0xac: {  	v2 =	vadd.f32 v3, v2;
	_ =	sdelay $0x1  }
0xad: {  	(xrf2) =	vadd.scan.msk.f32 $0xffff, v2;
	_ =	sdelay $0x8  }
0xae: {  	v2, _, _ =	vpop (xrf2)  }
0xaf: {  	v3 =	vmov s7;
	v2 =	vbroadcast v2, $0xF;
	v61, _, _ =	vpop (xrf2)  }
0xb0: {  	vm0 =	veq.s32 v3, v0;
	v3 =	vmov s6;
	v4 =	vbroadcast v61, $0xF  }
0xb1: {  	vm15 =	veq.s32 v3, v0;
	v2 =	vsel vm0, v2, v5  }
0xb2: {  	v2 =	vsel vm15, v4, v2  }
0xb3: {  	v2 =	vadd.f32 $1.000000020e-24, v2;
	_ =	sdelay $0x1  }
0xb4: {  	v3 =	vshra.s32 v2, $0x1;
	v62 =	vmul.f32 $5.000000000e-01, v2  }
0xb5: {  	v3 =	vsub.s32 $0x5F3759DF, v3  }
0xb6: {  	v63 =	vmul.f32 v3, v62;
	_ =	sdelay $0x1  }
0xb7: {  	v5 =	vmul.f32 v3, v63;
	_ =	sdelay $0x1  }
0xb8: {  	v5 =	vsub.f32 $1.500000000e+00, v5;
	_ =	sdelay $0x1  }
0xb9: {  	v3 =	vmul.f32 v3, v5;
	_ =	sdelay $0x1  }
0xba: {  	v5 =	vmul.f32 v3, v62;
	_ =	sdelay $0x1  }
0xbb: {  	v5 =	vmul.f32 v5, v3;
	_ =	sdelay $0x1  }
0xbc: {  	v5 =	vsub.f32 $1.500000000e+00, v5;
	_ =	sdelay $0x1  }
0xbd: {  	v3 =	vmul.f32 v5, v3;
	_ =	sdelay $0x1  }
0xbe: {  	v4 =	vmul.f32 v3, v62;
	_ =	sdelay $0x1  }
0xbf: {  	v4 =	vmul.f32 v4, v3;
	_ =	sdelay $0x1  }
0xc0: {  	s5 =	sshll.u32 s17, $0x4;
	s17 =	sadd.s32 $0x1, s17;
	v4 =	vsub.f32 $1.500000000e+00, v4  }
0xc1: {  	p0 =	sne.s32 s17, $0x4  }
.Ltmp3:
0xc2: {  	v3 =	vmul.f32 v4, v3;
	(pc) =	sbr.rel @p0 .LBB2_3-.Ltmp3, $4  }
0xc3: {  	_ = 	snop  }
0xc4: {  	v2 =	vmul.f32 v3, v2  }
0xc5: {  	s5 =	sand.u32 $0x3FFFFFF0, s5  }
0xc6: {  	s22 =	sadd.s32 $0x800, s22;
	s24 =	sadd.s32 $0x800, s24;
	s31 =	sadd.s32 $0x800, s31;
	[tilespmem:v1+s5+$0x0 ss:$0x1] =	vst.idx.msk $0xffff, v2  }
0xc7: {  	s17 =	sshll.u32 s16, $0x2;
	p0 =	seq.s32 s16, $0x3  }
0xc8: {  	s5 =	sadd.s32 @!p0 $0x4, s17  }
0xc9: {  	s6 =	sshrl.u32 @!p0 s5, $0x3  }
0xca: {  	s7 =	smul.u32 @!p0 $0x1800, s6  }
0xcb: {  	s5 =	sshll.u32 @!p0 s5, $0x6;
	s6 =	sshll.u32 @!p0 s6, $0x9  }
0xcc: {  	s5 =	ssub.s32 @!p0 s5, s6;
	s6 =	sshra.s32 @!p0 s7, $0x2  }
0xcd: {  	s7 =	simm.s32 @!p0 $0xC00;
	s5 =	sadd.s32 @!p0 s5, s6;
	s6 =	simm.s32 @!p0 $0x40  }
0xce: {  	[tilespmem:s7], [sflag:$0x1] =	stream.indirect.gather @!p0 [hbm4b:s1+s6], $0x80, s5, s6, $0xb8;
	[tilespmem:$0x19000] =	vst v63  }
0xcf: {  	s8 =	simm.s32 @!p0 $0x2C00;
	s7 =	sadd.s32 @!p0 $0x200, s5  }
0xd0: {  	[tilespmem:s8], [sflag:$0x1] =	stream.indirect.gather @!p0 [hbm4b:s2+s6], $0x80, s7, s6, $0xb8;
	[tilespmem:$0x19000] =	vst v63  }
0xd1: {  	s5 =	sadd.s32 @!p0 $0x400, s5;
	s7 =	simm.s32 @!p0 $0x4C00  }
0xd2: {  	[tilespmem:s7], [sflag:$0x1] =	stream.indirect.gather @!p0 [hbm4b:s1+s6], $0x80, s5, s6, $0xb8;
	[tilespmem:$0x19000] =	vst v63  }
0xd3: {  	_ =	swait.ge [sflag:s28], $0x2000  }
0xd4: {  	[sflag:s28] =	ssyncset.done $0x0  }
0xd5: {  	[sflag:s28] =	ssyncadd.s32 $0xFFFFE000  }
0xd6: {  	_ =	swait.ge [sflag:s28], $0x2000  }
0xd7: {  	[sflag:s28] =	ssyncset.done $0x0  }
0xd8: {  	[sflag:s28] =	ssyncadd.s32 $0xFFFFE000  }
0xd9: {  	s15 =	sadd.s32 $0x18C40, s18;
	_ =	swait.ge [sflag:s28], $0x2000  }
0xda: {  	s22 =	simm.s32 $0x0;
	s24 =	simm.s32 $0x6C40;
	[sflag:s28] =	ssyncset.done $0x0  }
0xdb: {  	s31 =	simm.s32 $0x8C40;
	s14 =	simm.s32 $0xAC40;
	v1 =	vmov s15;
	[sflag:s28] =	ssyncadd.s32 $0xFFFFE000  }
.LBB2_7:
0xdc: {  	v5 =	vld [tilespmem:s14+$0xFFFFFFC0]  }
0xdd: {  	v7 =	vld [tilespmem:s14+$0xFFFFFFD0]  }
0xde: {  	v8 =	vld [tilespmem:s14+$0xFFFFFFE0]  }
0xdf: {  	v9 =	vld [tilespmem:s14+$0xFFFFFFF0]  }
0xe0: {  	v10 =	vld [tilespmem:s24+$0xFFFFFFC0]  }
0xe1: {  	v11 =	vld [tilespmem:s31+$0xFFFFFFC0]  }
0xe2: {  	v12 =	vld [tilespmem:s24+$0xFFFFFFD0]  }
0xe3: {  	v13 =	vld [tilespmem:s31+$0xFFFFFFD0]  }
0xe4: {  	v14 =	vld [tilespmem:s24+$0xFFFFFFE0]  }
0xe5: {  	v15 =	vld [tilespmem:s31+$0xFFFFFFE0]  }
0xe6: {  	v16 =	vld [tilespmem:s24+$0xFFFFFFF0]  }
0xe7: {  	v17 =	vld [tilespmem:s31+$0xFFFFFFF0]  }
0xe8: {  	v18 =	vld [tilespmem:s24+$0x0]  }
0xe9: {  	v19 =	vld [tilespmem:s31+$0x0]  }
0xea: {  	v20 =	vld [tilespmem:s24+$0x10]  }
0xeb: {  	v21 =	vld [tilespmem:s31+$0x10]  }
0xec: {  	v22 =	vld [tilespmem:s24+$0x20]  }
0xed: {  	v23 =	vld [tilespmem:s31+$0x20]  }
0xee: {  	v24 =	vld [tilespmem:s24+$0x30]  }
0xef: {  	v25 =	vld [tilespmem:s31+$0x30]  }
0xf0: {  	v26 =	vld [tilespmem:s14+$0x0]  }
0xf1: {  	v27 =	vld [tilespmem:s14+$0x10];
	v10 =	vadd.f32 v11, v10;
	v11 =	vadd.f32 v13, v12  }
0xf2: {  	v28 =	vld [tilespmem:s14+$0x20];
	v12 =	vadd.f32 v15, v14;
	v13 =	vadd.f32 v17, v16  }
0xf3: {  	s15 =	sadd.s32 $0x80, s14;
	v29 =	vld [tilespmem:s14+$0x30];
	v15 =	vadd.f32 v19, v18;
	v16 =	vadd.f32 v21, v20  }
0xf4: {  	v6 =	vld [tilespmem:s15+$0xFFFFFFC0];
	v18 =	vadd.f32 v23, v22;
	v19 =	vadd.f32 v25, v24  }
0xf5: {  	v2 =	vld [tilespmem:s15+$0xFFFFFFD0];
	v5 =	vsub.f32 v10, v5;
	v7 =	vsub.f32 v11, v7  }
0xf6: {  	v4 =	vld [tilespmem:s15+$0xFFFFFFE0];
	v8 =	vsub.f32 v12, v8;
	v9 =	vsub.f32 v13, v9  }
0xf7: {  	s5 =	sadd.s32 $0x80, s24;
	v3 =	vld [tilespmem:s15+$0xFFFFFFF0];
	v11 =	vsub.f32 v15, v26;
	v12 =	vsub.f32 v16, v27  }
0xf8: {  	v30 =	vld [tilespmem:s5+$0xFFFFFFC0];
	v13 =	vsub.f32 v18, v28;
	v5 =	vmul.f32 v5, v5;
	v15 =	vmul.f32 v7, v7  }
0xf9: {  	s6 =	sadd.s32 $0x80, s31;
	v61 =	vld [tilespmem:s5+$0x0];
	v8 =	vmul.f32 v8, v8;
	v9 =	vmul.f32 v9, v9;
	v7 =	vsub.f32 v19, v29  }
0xfa: {  	v62 =	vld [tilespmem:s6+$0x0];
	v11 =	vmul.f32 v11, v11;
	v12 =	vmul.f32 v12, v12  }
0xfb: {  	v14 =	vld [tilespmem:s6+$0xFFFFFFC0];
	v13 =	vmul.f32 v13, v13;
	v18 =	vmul.f32 v7, v7  }
0xfc: {  	v17 =	vld [tilespmem:s5+$0xFFFFFFD0];
	v5 =	vadd.f32 v15, v5;
	v8 =	vadd.f32 v9, v8  }
0xfd: {  	v21 =	vld [tilespmem:s5+$0xFFFFFFE0];
	v12 =	vadd.f32 v12, v11;
	v15 =	vadd.f32 v18, v13  }
0xfe: {  	v22 =	vld [tilespmem:s6+$0xFFFFFFE0]  }
0xff: {  	v23 =	vld [tilespmem:s6+$0xFFFFFFF0];
	v5 =	vadd.f32 v8, v5;
	v8 =	vadd.f32 v15, v12  }
0x100: {  	v10 =	vld [tilespmem:s6+$0xFFFFFFD0]  }
0x101: {  	v16 =	vld [tilespmem:s5+$0xFFFFFFF0];
	v63 =	vadd.f32 v8, v5  }
0x102: {  	v7 =	vld [tilespmem:s5+$0x10]  }
0x103: {  	v9 =	vld [tilespmem:s6+$0x10];
	(xrf2) =	vadd.scan.msk.f32 $0xffff, v63  }
0x104: {  	v11 =	vld [tilespmem:s5+$0x20]  }
0x105: {  	v13 =	vld [tilespmem:s6+$0x20]  }
0x106: {  	v12 =	vld [tilespmem:s5+$0x30]  }
0x107: {  	v15 =	vld [tilespmem:s6+$0x30]  }
0x108: {  	v20 =	vadd.f32 v14, v30;
	v14 =	vld [tilespmem:s15+$0x20]  }
0x109: {  	s7 =	simm.s32 $0x1;
	v19 =	vadd.f32 v10, v17;
	v16 =	vadd.f32 v23, v16;
	v8 =	vld [tilespmem:s15+$0x0]  }
0x10a: {  	s10 =	simm.s32 $0x2;
	s8 =	simm.s32 $0x0;
	s9 =	sadd.s32 $0x80, s15;
	v10 =	vld [tilespmem:s15+$0x10];
	v17 =	vadd.f32 v62, v61;
	v18 =	vadd.f32 v22, v21;
	v5 =	vimm.f32 $0.0e+00  }
.LBB2_8:
0x10b: {  	v21 =	vld [tilespmem:s9+$0xFFFFFFC0];
	p1 =	sne.s32 s10, $0xF;
	v7 =	vadd.f32 v9, v7;
	v9 =	vadd.f32 v13, v11  }
0x10c: {  	v6 =	vsub.f32 v20, v6;
	v11 =	vadd.f32 v15, v12;
	v12 =	vld [tilespmem:s15+$0x30];
	s15 =	smov.u32 s9  }
0x10d: {  	v13 =	vsub.f32 v19, v2;
	v15 =	vsub.f32 v18, v4;
	v18 =	vmov s8;
	s8 =	smov.u32 s7;
	s7 =	smov.u32 s10;
	v2 =	vld [tilespmem:s9+$0xFFFFFFD0];
	v19, _, _ =	vpop (xrf2)  }
0x10e: {  	v16 =	vsub.f32 v16, v3;
	v8 =	vsub.f32 v17, v8;
	v4 =	vld [tilespmem:s9+$0xFFFFFFE0];
	v17 =	vbroadcast v19, $0xF  }
0x10f: {  	s5 =	sadd.s32 $0x80, s5;
	vm0 =	veq.s32 v18, v0;
	v7 =	vsub.f32 v7, v10;
	v3 =	vld [tilespmem:s9+$0xFFFFFFF0];
	v9 =	vsub.f32 v9, v14  }
0x110: {  	s6 =	sadd.s32 $0x80, s6;
	v13 =	vmul.f32 v13, v13;
	v14 =	vmul.f32 v6, v6;
	v10 =	vld [tilespmem:s5+$0xFFFFFFC0];
	v5 =	vsel vm0, v17, v5;
	v6 =	vmovc v21  }
0x111: {  	v15 =	vmul.f32 v15, v15;
	v16 =	vmul.f32 v16, v16;
	v17 =	vld [tilespmem:s6+$0xFFFFFFC0];
	v11 =	vsub.f32 v11, v12  }
0x112: {  	v8 =	vmul.f32 v8, v8;
	v7 =	vmul.f32 v7, v7;
	v18 =	vld [tilespmem:s5+$0xFFFFFFD0]  }
0x113: {  	v9 =	vmul.f32 v9, v9;
	v19 =	vld [tilespmem:s6+$0xFFFFFFD0];
	v11 =	vmul.f32 v11, v11  }
0x114: {  	v12 =	vadd.f32 v13, v14;
	v13 =	vadd.f32 v16, v15;
	v21 =	vld [tilespmem:s5+$0xFFFFFFE0]  }
0x115: {  	v7 =	vadd.f32 v7, v8;
	v14 =	vld [tilespmem:s6+$0xFFFFFFE0];
	v8 =	vadd.f32 v11, v9  }
0x116: {  	v16 =	vld [tilespmem:s5+$0xFFFFFFF0]  }
0x117: {  	v9 =	vadd.f32 v13, v12;
	v22 =	vld [tilespmem:s6+$0xFFFFFFF0];
	v7 =	vadd.f32 v8, v7  }
0x118: {  	v23 =	vld [tilespmem:s5+$0x0]  }
0x119: {  	v24 =	vld [tilespmem:s6+$0x0];
	v8 =	vadd.f32 v7, v9  }
0x11a: {  	v7 =	vld [tilespmem:s5+$0x10]  }
0x11b: {  	v9 =	vld [tilespmem:s6+$0x10];
	(xrf2) =	vadd.scan.msk.f32 $0xffff, v8  }
0x11c: {  	v11 =	vld [tilespmem:s5+$0x20]  }
0x11d: {  	v13 =	vld [tilespmem:s6+$0x20]  }
.Ltmp4:
0x11e: {  	v12 =	vld [tilespmem:s5+$0x30];
	(pc) =	sbr.rel @p1 .LBB2_8-.Ltmp4, $4  }
0x11f: {  	v15 =	vld [tilespmem:s6+$0x30]  }
0x120: {  	v20 =	vadd.f32 v17, v10;
	v8 =	vld [tilespmem:s9+$0x0]  }
0x121: {  	v19 =	vadd.f32 v19, v18;
	v18 =	vadd.f32 v14, v21;
	v10 =	vld [tilespmem:s9+$0x10]  }
0x122: {  	s10 =	sadd.s32 $0x1, s10;
	v16 =	vadd.f32 v22, v16;
	v17 =	vadd.f32 v24, v23;
	s9 =	sadd.s32 $0x80, s9;
	v14 =	vld [tilespmem:s15+$0x20]  }
0x123: {  	v7 =	vadd.f32 v9, v7;
	v56 =	vadd.f32 v13, v11;
	v57 =	vld [tilespmem:s15+$0x30]  }
0x124: {  	v6 =	vsub.f32 v20, v6;
	v2 =	vsub.f32 v19, v2  }
0x125: {  	v4 =	vsub.f32 v18, v4;
	v12 =	vadd.f32 v15, v12  }
0x126: {  	v3 =	vsub.f32 v16, v3;
	v8 =	vsub.f32 v17, v8;
	v6 =	vmul.f32 v6, v6  }
0x127: {  	v2 =	vmul.f32 v2, v2;
	v4 =	vmul.f32 v4, v4;
	v7 =	vsub.f32 v7, v10  }
0x128: {  	v3 =	vmul.f32 v3, v3;
	v9 =	vsub.f32 v56, v14;
	v58 =	vsub.f32 v12, v57  }
0x129: {  	v8 =	vmul.f32 v8, v8;
	v7 =	vmul.f32 v7, v7  }
0x12a: {  	v9 =	vmul.f32 v9, v9;
	v10 =	vmul.f32 v58, v58  }
0x12b: {  	v2 =	vadd.f32 v2, v6;
	v3 =	vadd.f32 v3, v4  }
0x12c: {  	v59 =	vadd.f32 v7, v8;
	v60 =	vadd.f32 v10, v9;
	_ =	sdelay $0x1  }
0x12d: {  	v2 =	vadd.f32 v3, v2;
	v3 =	vadd.f32 v60, v59;
	_ =	sdelay $0x1  }
0x12e: {  	v2 =	vadd.f32 v3, v2;
	_ =	sdelay $0x1  }
0x12f: {  	(xrf2) =	vadd.scan.msk.f32 $0xffff, v2;
	_ =	sdelay $0x8  }
0x130: {  	v2, _, _ =	vpop (xrf2)  }
0x131: {  	v3 =	vmov s8;
	v2 =	vbroadcast v2, $0xF;
	v61, _, _ =	vpop (xrf2)  }
0x132: {  	vm0 =	veq.s32 v3, v0;
	v3 =	vmov s7;
	v4 =	vbroadcast v61, $0xF  }
0x133: {  	vm15 =	veq.s32 v3, v0;
	v2 =	vsel vm0, v2, v5  }
0x134: {  	v2 =	vsel vm15, v4, v2  }
0x135: {  	v2 =	vadd.f32 $1.000000020e-24, v2;
	_ =	sdelay $0x1  }
0x136: {  	v3 =	vshra.s32 v2, $0x1;
	v62 =	vmul.f32 $5.000000000e-01, v2  }
0x137: {  	v3 =	vsub.s32 $0x5F3759DF, v3  }
0x138: {  	v63 =	vmul.f32 v3, v62;
	_ =	sdelay $0x1  }
0x139: {  	v5 =	vmul.f32 v3, v63;
	_ =	sdelay $0x1  }
0x13a: {  	v5 =	vsub.f32 $1.500000000e+00, v5;
	_ =	sdelay $0x1  }
0x13b: {  	v3 =	vmul.f32 v3, v5;
	_ =	sdelay $0x1  }
0x13c: {  	v5 =	vmul.f32 v3, v62;
	_ =	sdelay $0x1  }
0x13d: {  	v5 =	vmul.f32 v5, v3;
	_ =	sdelay $0x1  }
0x13e: {  	v5 =	vsub.f32 $1.500000000e+00, v5;
	_ =	sdelay $0x1  }
0x13f: {  	v3 =	vmul.f32 v5, v3;
	_ =	sdelay $0x1  }
0x140: {  	v4 =	vmul.f32 v3, v62;
	_ =	sdelay $0x1  }
0x141: {  	v4 =	vmul.f32 v4, v3;
	_ =	sdelay $0x1  }
0x142: {  	s5 =	sshll.u32 s22, $0x4;
	s22 =	sadd.s32 $0x1, s22;
	v4 =	vsub.f32 $1.500000000e+00, v4  }
0x143: {  	p1 =	sne.s32 s22, $0x4  }
.Ltmp5:
0x144: {  	v3 =	vmul.f32 v4, v3;
	(pc) =	sbr.rel @p1 .LBB2_7-.Ltmp5, $4  }
0x145: {  	_ = 	snop  }
0x146: {  	v2 =	vmul.f32 v3, v2  }
0x147: {  	s5 =	sand.u32 $0x3FFFFFF0, s5  }
0x148: {  	s24 =	sadd.s32 $0x800, s24;
	s31 =	sadd.s32 $0x800, s31;
	s14 =	sadd.s32 $0x800, s14;
	[tilespmem:v1+s5+$0x0 ss:$0x1] =	vst.idx.msk $0xffff, v2  }
0x149: {  	s5 =	sadd.s32 @!p0 $0x5, s17  }
0x14a: {  	s6 =	sshrl.u32 @!p0 s5, $0x3  }
0x14b: {  	s7 =	smul.u32 @!p0 $0x1800, s6  }
0x14c: {  	s5 =	sshll.u32 @!p0 s5, $0x6;
	s6 =	sshll.u32 @!p0 s6, $0x9  }
0x14d: {  	s5 =	ssub.s32 @!p0 s5, s6;
	s6 =	sshra.s32 @!p0 s7, $0x2  }
0x14e: {  	s7 =	simm.s32 @!p0 $0x6C00;
	s5 =	sadd.s32 @!p0 s5, s6;
	s6 =	simm.s32 @!p0 $0x40  }
0x14f: {  	[tilespmem:s7], [sflag:$0x2] =	stream.indirect.gather @!p0 [hbm4b:s1+s6], $0x80, s5, s6, $0xb8;
	[tilespmem:$0x19000] =	vst v63  }
0x150: {  	s8 =	simm.s32 @!p0 $0x8C00;
	s7 =	sadd.s32 @!p0 $0x200, s5  }
0x151: {  	[tilespmem:s8], [sflag:$0x2] =	stream.indirect.gather @!p0 [hbm4b:s2+s6], $0x80, s7, s6, $0xb8;
	[tilespmem:$0x19000] =	vst v63  }
0x152: {  	s5 =	sadd.s32 @!p0 $0x400, s5;
	s7 =	simm.s32 @!p0 $0xAC00  }
0x153: {  	[tilespmem:s7], [sflag:$0x2] =	stream.indirect.gather @!p0 [hbm4b:s1+s6], $0x80, s5, s6, $0xb8;
	[tilespmem:$0x19000] =	vst v63  }
0x154: {  	_ =	swait.ge [sflag:s29], $0x2000  }
0x155: {  	[sflag:s29] =	ssyncset.done $0x0  }
0x156: {  	[sflag:s29] =	ssyncadd.s32 $0xFFFFE000  }
0x157: {  	_ =	swait.ge [sflag:s29], $0x2000  }
0x158: {  	[sflag:s29] =	ssyncset.done $0x0  }
0x159: {  	[sflag:s29] =	ssyncadd.s32 $0xFFFFE000  }
0x15a: {  	s15 =	sadd.s32 $0x18C80, s18;
	_ =	swait.ge [sflag:s29], $0x2000  }
0x15b: {  	s22 =	simm.s32 $0x0;
	s24 =	simm.s32 $0xCC40;
	[sflag:s29] =	ssyncset.done $0x0  }
0x15c: {  	s31 =	simm.s32 $0xEC40;
	s14 =	simm.s32 $0x10C40;
	v1 =	vmov s15;
	[sflag:s29] =	ssyncadd.s32 $0xFFFFE000  }
.LBB2_11:
0x15d: {  	v5 =	vld [tilespmem:s14+$0xFFFFFFC0]  }
0x15e: {  	v7 =	vld [tilespmem:s14+$0xFFFFFFD0]  }
0x15f: {  	v8 =	vld [tilespmem:s14+$0xFFFFFFE0]  }
0x160: {  	v9 =	vld [tilespmem:s14+$0xFFFFFFF0]  }
0x161: {  	v10 =	vld [tilespmem:s24+$0xFFFFFFC0]  }
0x162: {  	v11 =	vld [tilespmem:s31+$0xFFFFFFC0]  }
0x163: {  	v12 =	vld [tilespmem:s24+$0xFFFFFFD0]  }
0x164: {  	v13 =	vld [tilespmem:s31+$0xFFFFFFD0]  }
0x165: {  	v14 =	vld [tilespmem:s24+$0xFFFFFFE0]  }
0x166: {  	v15 =	vld [tilespmem:s31+$0xFFFFFFE0]  }
0x167: {  	v16 =	vld [tilespmem:s24+$0xFFFFFFF0]  }
0x168: {  	v17 =	vld [tilespmem:s31+$0xFFFFFFF0]  }
0x169: {  	v18 =	vld [tilespmem:s24+$0x0]  }
0x16a: {  	v19 =	vld [tilespmem:s31+$0x0]  }
0x16b: {  	v20 =	vld [tilespmem:s24+$0x10]  }
0x16c: {  	v21 =	vld [tilespmem:s31+$0x10]  }
0x16d: {  	v22 =	vld [tilespmem:s24+$0x20]  }
0x16e: {  	v23 =	vld [tilespmem:s31+$0x20]  }
0x16f: {  	v24 =	vld [tilespmem:s24+$0x30]  }
0x170: {  	v25 =	vld [tilespmem:s31+$0x30]  }
0x171: {  	v26 =	vld [tilespmem:s14+$0x0]  }
0x172: {  	v27 =	vld [tilespmem:s14+$0x10];
	v10 =	vadd.f32 v11, v10;
	v11 =	vadd.f32 v13, v12  }
0x173: {  	v28 =	vld [tilespmem:s14+$0x20];
	v12 =	vadd.f32 v15, v14;
	v13 =	vadd.f32 v17, v16  }
0x174: {  	s15 =	sadd.s32 $0x80, s14;
	v29 =	vld [tilespmem:s14+$0x30];
	v15 =	vadd.f32 v19, v18;
	v16 =	vadd.f32 v21, v20  }
0x175: {  	v6 =	vld [tilespmem:s15+$0xFFFFFFC0];
	v18 =	vadd.f32 v23, v22;
	v19 =	vadd.f32 v25, v24  }
0x176: {  	v2 =	vld [tilespmem:s15+$0xFFFFFFD0];
	v5 =	vsub.f32 v10, v5;
	v7 =	vsub.f32 v11, v7  }
0x177: {  	v4 =	vld [tilespmem:s15+$0xFFFFFFE0];
	v8 =	vsub.f32 v12, v8;
	v9 =	vsub.f32 v13, v9  }
0x178: {  	s5 =	sadd.s32 $0x80, s24;
	v3 =	vld [tilespmem:s15+$0xFFFFFFF0];
	v11 =	vsub.f32 v15, v26;
	v12 =	vsub.f32 v16, v27  }
0x179: {  	v30 =	vld [tilespmem:s5+$0xFFFFFFC0];
	v13 =	vsub.f32 v18, v28;
	v5 =	vmul.f32 v5, v5;
	v15 =	vmul.f32 v7, v7  }
0x17a: {  	s6 =	sadd.s32 $0x80, s31;
	v61 =	vld [tilespmem:s5+$0x0];
	v8 =	vmul.f32 v8, v8;
	v9 =	vmul.f32 v9, v9;
	v7 =	vsub.f32 v19, v29  }
0x17b: {  	v62 =	vld [tilespmem:s6+$0x0];
	v11 =	vmul.f32 v11, v11;
	v12 =	vmul.f32 v12, v12  }
0x17c: {  	v14 =	vld [tilespmem:s6+$0xFFFFFFC0];
	v13 =	vmul.f32 v13, v13;
	v18 =	vmul.f32 v7, v7  }
0x17d: {  	v17 =	vld [tilespmem:s5+$0xFFFFFFD0];
	v5 =	vadd.f32 v15, v5;
	v8 =	vadd.f32 v9, v8  }
0x17e: {  	v21 =	vld [tilespmem:s5+$0xFFFFFFE0];
	v12 =	vadd.f32 v12, v11;
	v15 =	vadd.f32 v18, v13  }
0x17f: {  	v22 =	vld [tilespmem:s6+$0xFFFFFFE0]  }
0x180: {  	v23 =	vld [tilespmem:s6+$0xFFFFFFF0];
	v5 =	vadd.f32 v8, v5;
	v8 =	vadd.f32 v15, v12  }
0x181: {  	v10 =	vld [tilespmem:s6+$0xFFFFFFD0]  }
0x182: {  	v16 =	vld [tilespmem:s5+$0xFFFFFFF0];
	v63 =	vadd.f32 v8, v5  }
0x183: {  	v7 =	vld [tilespmem:s5+$0x10]  }
0x184: {  	v9 =	vld [tilespmem:s6+$0x10];
	(xrf2) =	vadd.scan.msk.f32 $0xffff, v63  }
0x185: {  	v11 =	vld [tilespmem:s5+$0x20]  }
0x186: {  	v13 =	vld [tilespmem:s6+$0x20]  }
0x187: {  	v12 =	vld [tilespmem:s5+$0x30]  }
0x188: {  	v15 =	vld [tilespmem:s6+$0x30]  }
0x189: {  	v20 =	vadd.f32 v14, v30;
	v14 =	vld [tilespmem:s15+$0x20]  }
0x18a: {  	s7 =	simm.s32 $0x1;
	v19 =	vadd.f32 v10, v17;
	v16 =	vadd.f32 v23, v16;
	v8 =	vld [tilespmem:s15+$0x0]  }
0x18b: {  	s10 =	simm.s32 $0x2;
	s8 =	simm.s32 $0x0;
	s9 =	sadd.s32 $0x80, s15;
	v10 =	vld [tilespmem:s15+$0x10];
	v17 =	vadd.f32 v62, v61;
	v18 =	vadd.f32 v22, v21;
	v5 =	vimm.f32 $0.0e+00  }
.LBB2_12:
0x18c: {  	v21 =	vld [tilespmem:s9+$0xFFFFFFC0];
	p1 =	sne.s32 s10, $0xF;
	v7 =	vadd.f32 v9, v7;
	v9 =	vadd.f32 v13, v11  }
0x18d: {  	v6 =	vsub.f32 v20, v6;
	v11 =	vadd.f32 v15, v12;
	v12 =	vld [tilespmem:s15+$0x30];
	s15 =	smov.u32 s9  }
0x18e: {  	v13 =	vsub.f32 v19, v2;
	v15 =	vsub.f32 v18, v4;
	v18 =	vmov s8;
	s8 =	smov.u32 s7;
	s7 =	smov.u32 s10;
	v2 =	vld [tilespmem:s9+$0xFFFFFFD0];
	v19, _, _ =	vpop (xrf2)  }
0x18f: {  	v16 =	vsub.f32 v16, v3;
	v8 =	vsub.f32 v17, v8;
	v4 =	vld [tilespmem:s9+$0xFFFFFFE0];
	v17 =	vbroadcast v19, $0xF  }
0x190: {  	s5 =	sadd.s32 $0x80, s5;
	vm0 =	veq.s32 v18, v0;
	v7 =	vsub.f32 v7, v10;
	v3 =	vld [tilespmem:s9+$0xFFFFFFF0];
	v9 =	vsub.f32 v9, v14  }
0x191: {  	s6 =	sadd.s32 $0x80, s6;
	v13 =	vmul.f32 v13, v13;
	v14 =	vmul.f32 v6, v6;
	v10 =	vld [tilespmem:s5+$0xFFFFFFC0];
	v5 =	vsel vm0, v17, v5;
	v6 =	vmovc v21  }
0x192: {  	v15 =	vmul.f32 v15, v15;
	v16 =	vmul.f32 v16, v16;
	v17 =	vld [tilespmem:s6+$0xFFFFFFC0];
	v11 =	vsub.f32 v11, v12  }
0x193: {  	v8 =	vmul.f32 v8, v8;
	v7 =	vmul.f32 v7, v7;
	v18 =	vld [tilespmem:s5+$0xFFFFFFD0]  }
0x194: {  	v9 =	vmul.f32 v9, v9;
	v19 =	vld [tilespmem:s6+$0xFFFFFFD0];
	v11 =	vmul.f32 v11, v11  }
0x195: {  	v12 =	vadd.f32 v13, v14;
	v13 =	vadd.f32 v16, v15;
	v21 =	vld [tilespmem:s5+$0xFFFFFFE0]  }
0x196: {  	v7 =	vadd.f32 v7, v8;
	v14 =	vld [tilespmem:s6+$0xFFFFFFE0];
	v8 =	vadd.f32 v11, v9  }
0x197: {  	v16 =	vld [tilespmem:s5+$0xFFFFFFF0]  }
0x198: {  	v9 =	vadd.f32 v13, v12;
	v22 =	vld [tilespmem:s6+$0xFFFFFFF0];
	v7 =	vadd.f32 v8, v7  }
0x199: {  	v23 =	vld [tilespmem:s5+$0x0]  }
0x19a: {  	v24 =	vld [tilespmem:s6+$0x0];
	v8 =	vadd.f32 v7, v9  }
0x19b: {  	v7 =	vld [tilespmem:s5+$0x10]  }
0x19c: {  	v9 =	vld [tilespmem:s6+$0x10];
	(xrf2) =	vadd.scan.msk.f32 $0xffff, v8  }
0x19d: {  	v11 =	vld [tilespmem:s5+$0x20]  }
0x19e: {  	v13 =	vld [tilespmem:s6+$0x20]  }
.Ltmp6:
0x19f: {  	v12 =	vld [tilespmem:s5+$0x30];
	(pc) =	sbr.rel @p1 .LBB2_12-.Ltmp6, $4  }
0x1a0: {  	v15 =	vld [tilespmem:s6+$0x30]  }
0x1a1: {  	v20 =	vadd.f32 v17, v10;
	v8 =	vld [tilespmem:s9+$0x0]  }
0x1a2: {  	v19 =	vadd.f32 v19, v18;
	v18 =	vadd.f32 v14, v21;
	v10 =	vld [tilespmem:s9+$0x10]  }
0x1a3: {  	s10 =	sadd.s32 $0x1, s10;
	v16 =	vadd.f32 v22, v16;
	v17 =	vadd.f32 v24, v23;
	s9 =	sadd.s32 $0x80, s9;
	v14 =	vld [tilespmem:s15+$0x20]  }
0x1a4: {  	v7 =	vadd.f32 v9, v7;
	v56 =	vadd.f32 v13, v11;
	v57 =	vld [tilespmem:s15+$0x30]  }
0x1a5: {  	v6 =	vsub.f32 v20, v6;
	v2 =	vsub.f32 v19, v2  }
0x1a6: {  	v4 =	vsub.f32 v18, v4;
	v12 =	vadd.f32 v15, v12  }
0x1a7: {  	v3 =	vsub.f32 v16, v3;
	v8 =	vsub.f32 v17, v8;
	v6 =	vmul.f32 v6, v6  }
0x1a8: {  	v2 =	vmul.f32 v2, v2;
	v4 =	vmul.f32 v4, v4;
	v7 =	vsub.f32 v7, v10  }
0x1a9: {  	v3 =	vmul.f32 v3, v3;
	v9 =	vsub.f32 v56, v14;
	v58 =	vsub.f32 v12, v57  }
0x1aa: {  	v8 =	vmul.f32 v8, v8;
	v7 =	vmul.f32 v7, v7  }
0x1ab: {  	v9 =	vmul.f32 v9, v9;
	v10 =	vmul.f32 v58, v58  }
0x1ac: {  	v2 =	vadd.f32 v2, v6;
	v3 =	vadd.f32 v3, v4  }
0x1ad: {  	v59 =	vadd.f32 v7, v8;
	v60 =	vadd.f32 v10, v9;
	_ =	sdelay $0x1  }
0x1ae: {  	v2 =	vadd.f32 v3, v2;
	v3 =	vadd.f32 v60, v59;
	_ =	sdelay $0x1  }
0x1af: {  	v2 =	vadd.f32 v3, v2;
	_ =	sdelay $0x1  }
0x1b0: {  	(xrf2) =	vadd.scan.msk.f32 $0xffff, v2;
	_ =	sdelay $0x8  }
0x1b1: {  	v2, _, _ =	vpop (xrf2)  }
0x1b2: {  	v3 =	vmov s8;
	v2 =	vbroadcast v2, $0xF;
	v61, _, _ =	vpop (xrf2)  }
0x1b3: {  	vm0 =	veq.s32 v3, v0;
	v3 =	vmov s7;
	v4 =	vbroadcast v61, $0xF  }
0x1b4: {  	vm15 =	veq.s32 v3, v0;
	v2 =	vsel vm0, v2, v5  }
0x1b5: {  	v2 =	vsel vm15, v4, v2  }
0x1b6: {  	v2 =	vadd.f32 $1.000000020e-24, v2;
	_ =	sdelay $0x1  }
0x1b7: {  	v3 =	vshra.s32 v2, $0x1;
	v62 =	vmul.f32 $5.000000000e-01, v2  }
0x1b8: {  	v3 =	vsub.s32 $0x5F3759DF, v3  }
0x1b9: {  	v63 =	vmul.f32 v3, v62;
	_ =	sdelay $0x1  }
0x1ba: {  	v5 =	vmul.f32 v3, v63;
	_ =	sdelay $0x1  }
0x1bb: {  	v5 =	vsub.f32 $1.500000000e+00, v5;
	_ =	sdelay $0x1  }
0x1bc: {  	v3 =	vmul.f32 v3, v5;
	_ =	sdelay $0x1  }
0x1bd: {  	v5 =	vmul.f32 v3, v62;
	_ =	sdelay $0x1  }
0x1be: {  	v5 =	vmul.f32 v5, v3;
	_ =	sdelay $0x1  }
0x1bf: {  	v5 =	vsub.f32 $1.500000000e+00, v5;
	_ =	sdelay $0x1  }
0x1c0: {  	v3 =	vmul.f32 v5, v3;
	_ =	sdelay $0x1  }
0x1c1: {  	v4 =	vmul.f32 v3, v62;
	_ =	sdelay $0x1  }
0x1c2: {  	v4 =	vmul.f32 v4, v3;
	_ =	sdelay $0x1  }
0x1c3: {  	s5 =	sshll.u32 s22, $0x4;
	s22 =	sadd.s32 $0x1, s22;
	v4 =	vsub.f32 $1.500000000e+00, v4  }
0x1c4: {  	p1 =	sne.s32 s22, $0x4  }
.Ltmp7:
0x1c5: {  	v3 =	vmul.f32 v4, v3;
	(pc) =	sbr.rel @p1 .LBB2_11-.Ltmp7, $4  }
0x1c6: {  	_ = 	snop  }
0x1c7: {  	v2 =	vmul.f32 v3, v2  }
0x1c8: {  	s5 =	sand.u32 $0x3FFFFFF0, s5  }
0x1c9: {  	s24 =	sadd.s32 $0x800, s24;
	s31 =	sadd.s32 $0x800, s31;
	s14 =	sadd.s32 $0x800, s14;
	[tilespmem:v1+s5+$0x0 ss:$0x1] =	vst.idx.msk $0xffff, v2  }
0x1ca: {  	s5 =	sadd.s32 @!p0 $0x6, s17  }
0x1cb: {  	s6 =	sshrl.u32 @!p0 s5, $0x3  }
0x1cc: {  	s7 =	smul.u32 @!p0 $0x1800, s6  }
0x1cd: {  	s5 =	sshll.u32 @!p0 s5, $0x6;
	s6 =	sshll.u32 @!p0 s6, $0x9  }
0x1ce: {  	s5 =	ssub.s32 @!p0 s5, s6;
	s6 =	sshra.s32 @!p0 s7, $0x2  }
0x1cf: {  	s7 =	simm.s32 @!p0 $0xCC00;
	s5 =	sadd.s32 @!p0 s5, s6;
	s6 =	simm.s32 @!p0 $0x40  }
0x1d0: {  	[tilespmem:s7], [sflag:$0x3] =	stream.indirect.gather @!p0 [hbm4b:s1+s6], $0x80, s5, s6, $0xb8;
	[tilespmem:$0x19000] =	vst v63  }
0x1d1: {  	s8 =	simm.s32 @!p0 $0xEC00;
	s7 =	sadd.s32 @!p0 $0x200, s5  }
0x1d2: {  	[tilespmem:s8], [sflag:$0x3] =	stream.indirect.gather @!p0 [hbm4b:s2+s6], $0x80, s7, s6, $0xb8;
	[tilespmem:$0x19000] =	vst v63  }
0x1d3: {  	s5 =	sadd.s32 @!p0 $0x400, s5;
	s7 =	simm.s32 @!p0 $0x10C00  }
0x1d4: {  	[tilespmem:s7], [sflag:$0x3] =	stream.indirect.gather @!p0 [hbm4b:s1+s6], $0x80, s5, s6, $0xb8;
	[tilespmem:$0x19000] =	vst v63  }
0x1d5: {  	_ =	swait.ge [sflag:s30], $0x2000  }
0x1d6: {  	[sflag:s30] =	ssyncset.done $0x0  }
0x1d7: {  	[sflag:s30] =	ssyncadd.s32 $0xFFFFE000  }
0x1d8: {  	_ =	swait.ge [sflag:s30], $0x2000  }
0x1d9: {  	[sflag:s30] =	ssyncset.done $0x0  }
0x1da: {  	[sflag:s30] =	ssyncadd.s32 $0xFFFFE000  }
0x1db: {  	s31 =	sadd.s32 $0x18CC0, s18;
	_ =	swait.ge [sflag:s30], $0x2000  }
0x1dc: {  	s18 =	simm.s32 $0x0;
	s22 =	simm.s32 $0x12C40;
	[sflag:s30] =	ssyncset.done $0x0  }
0x1dd: {  	s24 =	simm.s32 $0x14C40;
	s14 =	simm.s32 $0x16C40;
	v1 =	vmov s31;
	[sflag:s30] =	ssyncadd.s32 $0xFFFFE000  }
.LBB2_15:
0x1de: {  	v5 =	vld [tilespmem:s14+$0xFFFFFFC0]  }
0x1df: {  	v7 =	vld [tilespmem:s14+$0xFFFFFFD0]  }
0x1e0: {  	v8 =	vld [tilespmem:s14+$0xFFFFFFE0]  }
0x1e1: {  	v9 =	vld [tilespmem:s14+$0xFFFFFFF0]  }
0x1e2: {  	v10 =	vld [tilespmem:s22+$0xFFFFFFC0]  }
0x1e3: {  	v11 =	vld [tilespmem:s24+$0xFFFFFFC0]  }
0x1e4: {  	v12 =	vld [tilespmem:s22+$0xFFFFFFD0]  }
0x1e5: {  	v13 =	vld [tilespmem:s24+$0xFFFFFFD0]  }
0x1e6: {  	v14 =	vld [tilespmem:s22+$0xFFFFFFE0]  }
0x1e7: {  	v15 =	vld [tilespmem:s24+$0xFFFFFFE0]  }
0x1e8: {  	v16 =	vld [tilespmem:s22+$0xFFFFFFF0]  }
0x1e9: {  	v17 =	vld [tilespmem:s24+$0xFFFFFFF0]  }
0x1ea: {  	v18 =	vld [tilespmem:s22+$0x0]  }
0x1eb: {  	v19 =	vld [tilespmem:s24+$0x0]  }
0x1ec: {  	v20 =	vld [tilespmem:s22+$0x10]  }
0x1ed: {  	v21 =	vld [tilespmem:s24+$0x10]  }
0x1ee: {  	v22 =	vld [tilespmem:s22+$0x20]  }
0x1ef: {  	v23 =	vld [tilespmem:s24+$0x20]  }
0x1f0: {  	v24 =	vld [tilespmem:s22+$0x30]  }
0x1f1: {  	v25 =	vld [tilespmem:s24+$0x30]  }
0x1f2: {  	v26 =	vld [tilespmem:s14+$0x0]  }
0x1f3: {  	v27 =	vld [tilespmem:s14+$0x10];
	v10 =	vadd.f32 v11, v10;
	v11 =	vadd.f32 v13, v12  }
0x1f4: {  	v28 =	vld [tilespmem:s14+$0x20];
	v12 =	vadd.f32 v15, v14;
	v13 =	vadd.f32 v17, v16  }
0x1f5: {  	s15 =	sadd.s32 $0x80, s14;
	v29 =	vld [tilespmem:s14+$0x30];
	v15 =	vadd.f32 v19, v18;
	v16 =	vadd.f32 v21, v20  }
0x1f6: {  	v6 =	vld [tilespmem:s15+$0xFFFFFFC0];
	v18 =	vadd.f32 v23, v22;
	v19 =	vadd.f32 v25, v24  }
0x1f7: {  	v2 =	vld [tilespmem:s15+$0xFFFFFFD0];
	v5 =	vsub.f32 v10, v5;
	v7 =	vsub.f32 v11, v7  }
0x1f8: {  	v4 =	vld [tilespmem:s15+$0xFFFFFFE0];
	v8 =	vsub.f32 v12, v8;
	v9 =	vsub.f32 v13, v9  }
0x1f9: {  	s5 =	sadd.s32 $0x80, s22;
	v3 =	vld [tilespmem:s15+$0xFFFFFFF0];
	v11 =	vsub.f32 v15, v26;
	v12 =	vsub.f32 v16, v27  }
0x1fa: {  	v30 =	vld [tilespmem:s5+$0xFFFFFFC0];
	v13 =	vsub.f32 v18, v28;
	v5 =	vmul.f32 v5, v5;
	v15 =	vmul.f32 v7, v7  }
0x1fb: {  	s6 =	sadd.s32 $0x80, s24;
	v61 =	vld [tilespmem:s5+$0x0];
	v8 =	vmul.f32 v8, v8;
	v9 =	vmul.f32 v9, v9;
	v7 =	vsub.f32 v19, v29  }
0x1fc: {  	v62 =	vld [tilespmem:s6+$0x0];
	v11 =	vmul.f32 v11, v11;
	v12 =	vmul.f32 v12, v12  }
0x1fd: {  	v14 =	vld [tilespmem:s6+$0xFFFFFFC0];
	v13 =	vmul.f32 v13, v13;
	v18 =	vmul.f32 v7, v7  }
0x1fe: {  	v17 =	vld [tilespmem:s5+$0xFFFFFFD0];
	v5 =	vadd.f32 v15, v5;
	v8 =	vadd.f32 v9, v8  }
0x1ff: {  	v21 =	vld [tilespmem:s5+$0xFFFFFFE0];
	v12 =	vadd.f32 v12, v11;
	v15 =	vadd.f32 v18, v13  }
0x200: {  	v22 =	vld [tilespmem:s6+$0xFFFFFFE0]  }
0x201: {  	v23 =	vld [tilespmem:s6+$0xFFFFFFF0];
	v5 =	vadd.f32 v8, v5;
	v8 =	vadd.f32 v15, v12  }
0x202: {  	v10 =	vld [tilespmem:s6+$0xFFFFFFD0]  }
0x203: {  	v16 =	vld [tilespmem:s5+$0xFFFFFFF0];
	v63 =	vadd.f32 v8, v5  }
0x204: {  	v7 =	vld [tilespmem:s5+$0x10]  }
0x205: {  	v9 =	vld [tilespmem:s6+$0x10];
	(xrf2) =	vadd.scan.msk.f32 $0xffff, v63  }
0x206: {  	v11 =	vld [tilespmem:s5+$0x20]  }
0x207: {  	v13 =	vld [tilespmem:s6+$0x20]  }
0x208: {  	v12 =	vld [tilespmem:s5+$0x30]  }
0x209: {  	v15 =	vld [tilespmem:s6+$0x30]  }
0x20a: {  	v20 =	vadd.f32 v14, v30;
	v14 =	vld [tilespmem:s15+$0x20]  }
0x20b: {  	s7 =	simm.s32 $0x1;
	v19 =	vadd.f32 v10, v17;
	v16 =	vadd.f32 v23, v16;
	v8 =	vld [tilespmem:s15+$0x0]  }
0x20c: {  	s10 =	simm.s32 $0x2;
	s8 =	simm.s32 $0x0;
	s9 =	sadd.s32 $0x80, s15;
	v10 =	vld [tilespmem:s15+$0x10];
	v17 =	vadd.f32 v62, v61;
	v18 =	vadd.f32 v22, v21;
	v5 =	vimm.f32 $0.0e+00  }
.LBB2_16:
0x20d: {  	v21 =	vld [tilespmem:s9+$0xFFFFFFC0];
	p1 =	sne.s32 s10, $0xF;
	v7 =	vadd.f32 v9, v7;
	v9 =	vadd.f32 v13, v11  }
0x20e: {  	v6 =	vsub.f32 v20, v6;
	v11 =	vadd.f32 v15, v12;
	v12 =	vld [tilespmem:s15+$0x30];
	s15 =	smov.u32 s9  }
0x20f: {  	v13 =	vsub.f32 v19, v2;
	v15 =	vsub.f32 v18, v4;
	v18 =	vmov s8;
	s8 =	smov.u32 s7;
	s7 =	smov.u32 s10;
	v2 =	vld [tilespmem:s9+$0xFFFFFFD0];
	v19, _, _ =	vpop (xrf2)  }
0x210: {  	v16 =	vsub.f32 v16, v3;
	v8 =	vsub.f32 v17, v8;
	v4 =	vld [tilespmem:s9+$0xFFFFFFE0];
	v17 =	vbroadcast v19, $0xF  }
0x211: {  	s5 =	sadd.s32 $0x80, s5;
	vm0 =	veq.s32 v18, v0;
	v7 =	vsub.f32 v7, v10;
	v3 =	vld [tilespmem:s9+$0xFFFFFFF0];
	v9 =	vsub.f32 v9, v14  }
0x212: {  	s6 =	sadd.s32 $0x80, s6;
	v13 =	vmul.f32 v13, v13;
	v14 =	vmul.f32 v6, v6;
	v10 =	vld [tilespmem:s5+$0xFFFFFFC0];
	v5 =	vsel vm0, v17, v5;
	v6 =	vmovc v21  }
0x213: {  	v15 =	vmul.f32 v15, v15;
	v16 =	vmul.f32 v16, v16;
	v17 =	vld [tilespmem:s6+$0xFFFFFFC0];
	v11 =	vsub.f32 v11, v12  }
0x214: {  	v8 =	vmul.f32 v8, v8;
	v7 =	vmul.f32 v7, v7;
	v18 =	vld [tilespmem:s5+$0xFFFFFFD0]  }
0x215: {  	v9 =	vmul.f32 v9, v9;
	v19 =	vld [tilespmem:s6+$0xFFFFFFD0];
	v11 =	vmul.f32 v11, v11  }
0x216: {  	v12 =	vadd.f32 v13, v14;
	v13 =	vadd.f32 v16, v15;
	v21 =	vld [tilespmem:s5+$0xFFFFFFE0]  }
0x217: {  	v7 =	vadd.f32 v7, v8;
	v14 =	vld [tilespmem:s6+$0xFFFFFFE0];
	v8 =	vadd.f32 v11, v9  }
0x218: {  	v16 =	vld [tilespmem:s5+$0xFFFFFFF0]  }
0x219: {  	v9 =	vadd.f32 v13, v12;
	v22 =	vld [tilespmem:s6+$0xFFFFFFF0];
	v7 =	vadd.f32 v8, v7  }
0x21a: {  	v23 =	vld [tilespmem:s5+$0x0]  }
0x21b: {  	v24 =	vld [tilespmem:s6+$0x0];
	v8 =	vadd.f32 v7, v9  }
0x21c: {  	v7 =	vld [tilespmem:s5+$0x10]  }
0x21d: {  	v9 =	vld [tilespmem:s6+$0x10];
	(xrf2) =	vadd.scan.msk.f32 $0xffff, v8  }
0x21e: {  	v11 =	vld [tilespmem:s5+$0x20]  }
0x21f: {  	v13 =	vld [tilespmem:s6+$0x20]  }
.Ltmp8:
0x220: {  	v12 =	vld [tilespmem:s5+$0x30];
	(pc) =	sbr.rel @p1 .LBB2_16-.Ltmp8, $4  }
0x221: {  	v15 =	vld [tilespmem:s6+$0x30]  }
0x222: {  	v20 =	vadd.f32 v17, v10;
	v8 =	vld [tilespmem:s9+$0x0]  }
0x223: {  	v19 =	vadd.f32 v19, v18;
	v18 =	vadd.f32 v14, v21;
	v10 =	vld [tilespmem:s9+$0x10]  }
0x224: {  	s10 =	sadd.s32 $0x1, s10;
	v16 =	vadd.f32 v22, v16;
	v17 =	vadd.f32 v24, v23;
	s9 =	sadd.s32 $0x80, s9;
	v14 =	vld [tilespmem:s15+$0x20]  }
0x225: {  	v7 =	vadd.f32 v9, v7;
	v56 =	vadd.f32 v13, v11;
	v57 =	vld [tilespmem:s15+$0x30]  }
0x226: {  	v6 =	vsub.f32 v20, v6;
	v2 =	vsub.f32 v19, v2  }
0x227: {  	v4 =	vsub.f32 v18, v4;
	v12 =	vadd.f32 v15, v12  }
0x228: {  	v3 =	vsub.f32 v16, v3;
	v8 =	vsub.f32 v17, v8;
	v6 =	vmul.f32 v6, v6  }
0x229: {  	v2 =	vmul.f32 v2, v2;
	v4 =	vmul.f32 v4, v4;
	v7 =	vsub.f32 v7, v10  }
0x22a: {  	v3 =	vmul.f32 v3, v3;
	v9 =	vsub.f32 v56, v14;
	v58 =	vsub.f32 v12, v57  }
0x22b: {  	v8 =	vmul.f32 v8, v8;
	v7 =	vmul.f32 v7, v7  }
0x22c: {  	v9 =	vmul.f32 v9, v9;
	v10 =	vmul.f32 v58, v58  }
0x22d: {  	v2 =	vadd.f32 v2, v6;
	v3 =	vadd.f32 v3, v4  }
0x22e: {  	v59 =	vadd.f32 v7, v8;
	v60 =	vadd.f32 v10, v9;
	_ =	sdelay $0x1  }
0x22f: {  	v2 =	vadd.f32 v3, v2;
	v3 =	vadd.f32 v60, v59;
	_ =	sdelay $0x1  }
0x230: {  	v2 =	vadd.f32 v3, v2;
	_ =	sdelay $0x1  }
0x231: {  	(xrf2) =	vadd.scan.msk.f32 $0xffff, v2;
	_ =	sdelay $0x8  }
0x232: {  	v2, _, _ =	vpop (xrf2)  }
0x233: {  	v3 =	vmov s8;
	v2 =	vbroadcast v2, $0xF;
	v61, _, _ =	vpop (xrf2)  }
0x234: {  	vm0 =	veq.s32 v3, v0;
	v3 =	vmov s7;
	v4 =	vbroadcast v61, $0xF  }
0x235: {  	vm15 =	veq.s32 v3, v0;
	v2 =	vsel vm0, v2, v5  }
0x236: {  	v2 =	vsel vm15, v4, v2  }
0x237: {  	v2 =	vadd.f32 $1.000000020e-24, v2;
	_ =	sdelay $0x1  }
0x238: {  	v3 =	vshra.s32 v2, $0x1;
	v62 =	vmul.f32 $5.000000000e-01, v2  }
0x239: {  	v3 =	vsub.s32 $0x5F3759DF, v3  }
0x23a: {  	v63 =	vmul.f32 v3, v62;
	_ =	sdelay $0x1  }
0x23b: {  	v5 =	vmul.f32 v3, v63;
	_ =	sdelay $0x1  }
0x23c: {  	v5 =	vsub.f32 $1.500000000e+00, v5;
	_ =	sdelay $0x1  }
0x23d: {  	v3 =	vmul.f32 v3, v5;
	_ =	sdelay $0x1  }
0x23e: {  	v5 =	vmul.f32 v3, v62;
	_ =	sdelay $0x1  }
0x23f: {  	v5 =	vmul.f32 v5, v3;
	_ =	sdelay $0x1  }
0x240: {  	v5 =	vsub.f32 $1.500000000e+00, v5;
	_ =	sdelay $0x1  }
0x241: {  	v3 =	vmul.f32 v5, v3;
	_ =	sdelay $0x1  }
0x242: {  	v4 =	vmul.f32 v3, v62;
	_ =	sdelay $0x1  }
0x243: {  	v4 =	vmul.f32 v4, v3;
	_ =	sdelay $0x1  }
0x244: {  	s5 =	sshll.u32 s18, $0x4;
	s18 =	sadd.s32 $0x1, s18;
	v4 =	vsub.f32 $1.500000000e+00, v4  }
0x245: {  	p1 =	sne.s32 s18, $0x4  }
.Ltmp9:
0x246: {  	v3 =	vmul.f32 v4, v3;
	(pc) =	sbr.rel @p1 .LBB2_15-.Ltmp9, $4  }
0x247: {  	_ = 	snop  }
0x248: {  	v2 =	vmul.f32 v3, v2  }
0x249: {  	s5 =	sand.u32 $0x3FFFFFF0, s5  }
0x24a: {  	s22 =	sadd.s32 $0x800, s22;
	s24 =	sadd.s32 $0x800, s24;
	s14 =	sadd.s32 $0x800, s14;
	[tilespmem:v1+s5+$0x0 ss:$0x1] =	vst.idx.msk $0xffff, v2  }
.Ltmp10:
0x24b: {  	(pc) =	sbr.rel @p0 .LBB2_20-.Ltmp10, $1  }
0x24c: {  	_ =	sdelay $0x3  }
0x24d: {  	s5 =	sadd.s32 $0x7, s17  }
0x24e: {  	s6 =	sshrl.u32 s5, $0x3  }
0x24f: {  	s7 =	smul.u32 $0x1800, s6  }
0x250: {  	s5 =	sshll.u32 s5, $0x6;
	s6 =	sshll.u32 s6, $0x9  }
0x251: {  	s5 =	ssub.s32 s5, s6;
	s31 =	sshra.s32 s7, $0x2  }
0x252: {  	s5 =	sadd.s32 s5, s31  }
0x253: {  	[tilespmem:s21], [sflag:$0x4] =	stream.indirect.gather [hbm4b:s1+s20], $0x80, s5, s20, $0xb8;
	[tilespmem:$0x19000] =	vst v63  }
0x254: {  	s6 =	sadd.s32 $0x200, s5  }
0x255: {  	[tilespmem:s23], [sflag:$0x4] =	stream.indirect.gather [hbm4b:s2+s20], $0x80, s6, s20, $0xb8;
	[tilespmem:$0x19000] =	vst v63  }
.Ltmp11:
0x256: {  	_ = 	snop;
	(pc) =	sbr.rel .LBB2_2-.Ltmp11, $4  }
0x257: {  	p0 =	sne.s32 s16, $0x1;
	s5 =	sadd.s32 $0x400, s5  }
0x258: {  	[tilespmem:s25], [sflag:$0x4] =	stream.indirect.gather [hbm4b:s1+s20], $0x80, s5, s20, $0xb8;
	[tilespmem:$0x19000] =	vst v63  }
0x259: {  	s16 =	sadd.s32 $0x1, s16;
	s6 =	simm.s32 @!p0 $0x18C00;
	s5 =	simm.s32 @!p0 $0x0  }
0x25a: {  	[hbm4b:s11+s5] =	stream.linear.scatter @!p0 [tilespmem:s6], [sflag:$0x5], $0x200, $0x38;
	[tilespmem:$0x19000] =	vst v63  }
.LBB2_21:
0x25b: {  	_ =	sfence.sel $0x180000  }
0x25c: {  	[bflag:$0x0] =	sbarrier.arrive $0xFFFF  }
0x25d: {  	_ =	strace $0x90000047  }
0x25e: {  	s0 =	stileid.u32;
	[bflag:$0x2] =	sbarrier.arrive $0xFFFF  }
0x25f: {  	p0 =	sne.s32 s0, $0x0;
	s0 =	rddreg [dreg:$0x5]  }
0x260: {  	s0 =	sadd.s32 @!p0 $0x100000, s0  }
0x261: {  	[sflag:s0] =	ssyncadd.tile.s32 @!p0 $0x1;
	_ =	shalt  }
.Lfunc_end2:
_tile_overlayer_lowered:
.L_overlay_start_2:
0x262: {  	(tag) =	ssettag $0x2  }
0x263: {  	s0 =	rddreg [dreg:$0x0];
	s2 =	stileid.u32  }
0x264: {  	s1 =	rddreg [dreg:$0x1];
	p0 =	sne.s32 s2, $0x0  }
0x265: {  	s3 =	rddreg [dreg:$0x2];
	[bflag:$0x3] =	sbarrier.arrive $0xFFFF;
	s2 =	simm.s32 @!p0 $0x1C06  }
0x266: {  	[timem:s3], [sflag:s2] =	dma.local @!p0 [hbm:s0], s1  }
0x267: {  	s0 =	simm.s32 @!p0 $0x6  }
0x268: {  	_ =	swait.ge @!p0 [sflag:s0], s1  }
0x269: {  	s1 =	ssub.s32 @!p0 $0x0, s1;
	[sflag:s0] =	ssyncset.done @!p0 $0x0  }
0x26a: {  	[sflag:s0] =	ssyncadd.s32 @!p0 s1  }
0x26b: {  	[bflag:$0x3] =	sbarrier.arrive $0xFFFF  }
0x26c: {  	_ =	shalt  }

</sc_bundles>
